<compile_context>
chip_gen: v7x
topology: tpu7x:2x2x1
jax: 0.10.2.dev20260603
libtpu: 0.0.44.dev20260713+nightly
codegen_flags: <defaults>
</compile_context>

<pallas_src>
import functools

import jax
import jax.numpy as jnp
from jax import lax
from jax.experimental import pallas as pl
from jax.experimental.pallas import tpu as pltpu
from jax.experimental.pallas import tpu_sc as plsc

_N = 4096
_NF_IN = 16
_NF = 32
_NQE = _NF + 8
_NFE = _NF + 1
_B = 4
_BR = 512
_BC = 1024
_NR = _N // _BR
_NC = _N // _BC
_SQRT_M = 5.477225575051661
_L = 16


def _sc_bounds(seg_hbm, out_hbm, seg_v, out_v):
    cid = lax.axis_index("c")
    sid = lax.axis_index("s")

    @pl.when((cid == 0) & (sid == 0))
    def _():
        pltpu.sync_copy(seg_hbm, seg_v)
        one = jnp.ones((_L,), jnp.int32)
        zero = jnp.zeros((_L,), jnp.int32)

        def body(i, accs):
            chunk = seg_v[pl.ds(i * _L, _L)]
            a1, a2, a3 = accs
            a1 = a1 + jnp.where(chunk < 1, one, zero)
            a2 = a2 + jnp.where(chunk < 2, one, zero)
            a3 = a3 + jnp.where(chunk < 3, one, zero)
            return a1, a2, a3

        z = jnp.zeros((_L,), jnp.int32)
        a1, a2, a3 = lax.fori_loop(0, _N // _L, body, (z, z, z))
        out_v[pl.ds(0, _L)] = a1
        out_v[pl.ds(_L, _L)] = a2
        out_v[pl.ds(2 * _L, _L)] = a3
        pltpu.sync_copy(out_v, out_hbm)


_sc_bounds_call = functools.partial(
    pl.kernel,
    out_type=jax.ShapeDtypeStruct((3 * _L,), jnp.int32),
    mesh=plsc.VectorSubcoreMesh(core_axis_name="c", subcore_axis_name="s"),
    scratch_types=[
        pltpu.VMEM((_N,), jnp.int32),
        pltpu.VMEM((3 * _L,), jnp.int32),
    ],
)(_sc_bounds)


def _fused(segs_ref, counts_ref, x_ref, segr_ref, wp1_ref, wq_ref, wk_ref,
           wv_ref, wt_ref, sc_ref, bi_ref, out_ref, h_ref, q_ref, k_ref,
           v_ref, t_ref, starts_ref):
    starts_ref[0, 0] = 0
    starts_ref[0, _B] = _N
    for b in range(1, _B):
        acc = counts_ref[(b - 1) * _L]
        for l in range(1, _L):
            acc = acc + counts_ref[(b - 1) * _L + l]
        starts_ref[0, b] = acc

    h = jnp.dot(x_ref[...], wp1_ref[...], preferred_element_type=jnp.float32)
    h_ref[...] = h
    iota8 = jax.lax.broadcasted_iota(jnp.int32, (_N, _NQE - _NF), 1)
    oh = jnp.where(segr_ref[...] == iota8, jnp.float32(_SQRT_M),
                   jnp.float32(0.0))
    c4 = jnp.where(iota8 == 4, jnp.float32(_SQRT_M), jnp.float32(0.0))
    q_ref[:, 0:_NF] = jnp.dot(
        h, wq_ref[...], preferred_element_type=jnp.float32).astype(jnp.bfloat16)
    q_ref[:, _NF:_NQE] = (oh + c4).astype(jnp.bfloat16)
    k_ref[:, 0:_NF] = jnp.dot(
        h, wk_ref[...], preferred_element_type=jnp.float32).astype(jnp.bfloat16)
    k_ref[:, _NF:_NQE] = (oh - c4).astype(jnp.bfloat16)
    v = jnp.dot(h, wv_ref[...], preferred_element_type=jnp.float32)
    v_ref[:, 0:_NF] = v.astype(jnp.bfloat16)
    v_ref[:, _NF:_NFE] = jnp.ones((_N, 1), jnp.bfloat16)
    wt = wt_ref[...]

    s1 = jnp.zeros((1, _NF), dtype=jnp.float32)
    s2 = jnp.zeros((1, _NF), dtype=jnp.float32)
    for r in range(_NR):
        row0 = r * _BR
        qe = q_ref[row0:row0 + _BR, :]

        def col_step(c, acc, qe=qe):
            col0 = c * _BC
            kb = k_ref[pl.ds(col0, _BC), :]
            vb = v_ref[pl.ds(col0, _BC), :]
            s = jax.lax.dot_general(qe, kb, (((1,), (1,)), ((), ())),
                                    preferred_element_type=jnp.float32)
            e = jnp.exp(s).astype(jnp.bfloat16)
            return acc + jnp.dot(e, vb, preferred_element_type=jnp.float32)

        a0 = jnp.zeros((_BR, _NFE), dtype=jnp.float32)
        sl = segs_ref[0, row0]
        sh = segs_ref[0, row0 + _BR - 1]
        c_lo = starts_ref[0, sl] // _BC
        c_hi = (starts_ref[0, sh + 1] + _BC - 1) // _BC
        acc = jax.lax.fori_loop(c_lo, c_hi, col_step, a0)
        rb = acc[:, 0:_NF] / acc[:, _NF:_NFE]
        tb = jnp.dot(rb, wt, preferred_element_type=jnp.float32)
        t_ref[pl.ds(row0, _BR), :] = tb
        s1 = s1 + jnp.sum(tb, axis=0, keepdims=True)
        s2 = s2 + jnp.sum(tb * tb, axis=0, keepdims=True)

    mean = s1 / jnp.float32(_N)
    var = s2 / jnp.float32(_N) - mean * mean
    inv = jax.lax.rsqrt(var + 1e-5) * sc_ref[...]
    bias = bi_ref[...]
    for r in range(_NR):
        row0 = r * _BR
        tb = t_ref[row0:row0 + _BR, :]
        out_ref[row0:row0 + _BR, :] = (
            h_ref[row0:row0 + _BR, :] + (tb - mean) * inv + bias)


def kernel(x, segment_ids, W_p1, W_q, W_k, W_v, W_trans, bn_scale, bn_bias):
    seg = segment_ids.astype(jnp.int32)
    segs = seg.reshape(1, _N)
    segr = seg.reshape(_N, 1)
    counts = _sc_bounds_call(seg)
    specs = [pl.BlockSpec(memory_space=pltpu.SMEM)] * 2 + [
        pl.BlockSpec(memory_space=pltpu.VMEM)] * 9
    return pl.pallas_call(
        _fused,
        out_shape=jax.ShapeDtypeStruct((_N, _NF), jnp.float32),
        in_specs=specs,
        scratch_shapes=[
            pltpu.VMEM((_N, _NF), jnp.float32),
            pltpu.VMEM((_N, _NQE), jnp.bfloat16),
            pltpu.VMEM((_N, _NQE), jnp.bfloat16),
            pltpu.VMEM((_N, _NFE), jnp.bfloat16),
            pltpu.VMEM((_N, _NF), jnp.float32),
            pltpu.SMEM((1, _B + 1), jnp.int32),
        ],
    )(segs, counts, x, segr, W_p1, W_q, W_k, W_v, W_trans,
      bn_scale.reshape(1, _NF), bn_bias.reshape(1, _NF))

# --- scband reference (transcript-rebuilt; emitter-appended) ---
"""Pipeline reference for scband-gen-model-62139586839044 (READ-ONLY COPY).

The authoritative reference and input builder live on the scoring server;
editing this copy changes nothing except your own understanding.
"""

import jax, jax.numpy as jnp
import numpy as np

N = 4096
NF_IN = 16
NF = 32
B = 4

def setup_inputs(seed: int = 0) -> dict:
    key = jax.random.key(seed)
    ks = jax.random.split(key, 9)
    x = jax.random.normal(ks[0], (N, NF_IN), dtype=jnp.float32)
    segment_ids = jnp.sort(jax.random.randint(ks[1], (N,), 0, B).astype(jnp.int64))
    W_p1 = jax.random.normal(ks[2], (NF_IN, NF), dtype=jnp.float32) * 0.1
    W_q = jax.random.normal(ks[3], (NF, NF), dtype=jnp.float32) * 0.1
    W_k = jax.random.normal(ks[4], (NF, NF), dtype=jnp.float32) * 0.1
    W_v = jax.random.normal(ks[5], (NF, NF), dtype=jnp.float32) * 0.1
    W_trans = jax.random.normal(ks[6], (NF, NF), dtype=jnp.float32) * 0.1
    bn_scale = jnp.ones((NF,), dtype=jnp.float32)
    bn_bias = jnp.zeros((NF,), dtype=jnp.float32)
    return {"x": x, "segment_ids": segment_ids, "W_p1": W_p1, "W_q": W_q, "W_k": W_k, "W_v": W_v, "W_trans": W_trans, "bn_scale": bn_scale, "bn_bias": bn_bias}

def reference(x, segment_ids, W_p1, W_q, W_k, W_v, W_trans, bn_scale, bn_bias):
    # p1: submanifold conv (filter_size center tap acts as linear on active-site features)
    h = x @ W_p1
    # q/k/v: 1x1x1 submanifold convolutions == per-voxel linear projections
    q = h @ W_q
    k = h @ W_k
    v = h @ W_v
    # per-batch-element sparse attention: the torch loop slices features by
    # batch index from getSpatialLocations(...)[:, 3]; here segment_ids plays
    # that role, and the per-segment softmax(q @ k.T) @ v is realized by a
    # segment-equality masked dense attention (identical math per segment).
    scores = q @ k.T
    mask = segment_ids[:, None] == segment_ids[None, :]
    scores = jnp.where(mask, scores, jnp.float32(-1e30))
    attn = jax.nn.softmax(scores, axis=-1)
    r = attn @ v
    # trans_conv (1x1x1) then BatchNormalization over active sites, residual add
    t = r @ W_trans
    mean = jnp.mean(t, axis=0)
    var = jnp.var(t, axis=0)
    t_norm = (t - mean) / jnp.sqrt(var + 1e-5) * bn_scale + bn_bias
    out = h + t_norm
    return out

if __name__ == "__main__":
    import jax
    _d = setup_inputs()
    print(jax.jit(kernel)(*tuple(_d.values())))

</pallas_src>

<mosaic_0001>
#map = affine_map<(d0, d1) -> (0)>
module attributes {stable_mosaic.version = 14 : i64} {
  func.func @_sc_bounds(%arg0: i32, %arg1: i32, %arg2: memref<4096xi32, #tpu.memory_space<hbm>>, %arg3: memref<48xi32, #tpu.memory_space<hbm>>, %arg4: memref<4096xi32, #tpu.memory_space<vmem>>, %arg5: memref<48xi32, #tpu.memory_space<vmem>>) attributes {dimension_semantics = [#tpu.dimension_semantics<core_parallel>, #tpu.dimension_semantics<subcore_parallel>], iteration_bounds = array<i64: 2, 16>, scalar_prefetch = 0 : i64, scratch_operands = 2 : i64, tpu.core_type = #tpu.core_type<sc_vector_subcore>, window_params = [{transform_indices = #map}, {transform_indices = #map}]} {
    %eq3A = arith.constant 0 : i32
    %eq3A_0 = arith.cmpi eq, %arg0, %eq3A : i32
    %eq3A_1 = arith.constant 0 : i32
    %eq3A_2 = arith.cmpi eq, %arg1, %eq3A_1 : i32
    %and3A = arith.andi %eq3A_0, %eq3A_2 : i1
    %convert_element_type3A = arith.extui %and3A : i1 to i32
    %cond3A = arith.constant 0 : i32
    %cond3A_3 = arith.cmpi ne, %convert_element_type3A, %cond3A : i32
    scf.if %cond3A_3 {
      "tpu.region"() ({
        %run_scoped3A = tpu.sem_alloc : memref<!tpu.dma_semaphore, #tpu.memory_space<semaphore_mem>>
        tpu.enqueue_dma source(%arg2 : memref<4096xi32, #tpu.memory_space<hbm>>) target(%arg4 : memref<4096xi32, #tpu.memory_space<vmem>>) target_semaphore(%run_scoped3A : memref<!tpu.dma_semaphore, #tpu.memory_space<semaphore_mem>>)
        tpu.wait_dma2 semaphore(%run_scoped3A : memref<!tpu.dma_semaphore, #tpu.memory_space<semaphore_mem>>) src(%arg2 : memref<4096xi32, #tpu.memory_space<hbm>>) dst(%arg4 : memref<4096xi32, #tpu.memory_space<vmem>>)
        tpu.yield
      }) : () -> ()
      %broadcast_in_dim3A = arith.constant 1 : i32
      %broadcast_in_dim3A_4 = vector.broadcast %broadcast_in_dim3A : i32 to vector<16xi32>
      %broadcast_in_dim3A_5 = arith.constant 0 : i32
      %broadcast_in_dim3A_6 = vector.broadcast %broadcast_in_dim3A_5 : i32 to vector<16xi32>
      %broadcast_in_dim3A_7 = arith.constant 0 : i32
      %broadcast_in_dim3A_8 = vector.broadcast %broadcast_in_dim3A_7 : i32 to vector<16xi32>
      %scan3A = arith.constant 0 : i32
      %scan3A_9 = arith.constant 256 : i32
      %scan3A_10 = arith.addi %scan3A, %scan3A_9 : i32
      %scan3A_11 = arith.constant 1 : i32
      %scan3A_12:3 = scf.for %scan3A_25 = %scan3A to %scan3A_10 step %scan3A_11 iter_args(%scan3A_26 = %broadcast_in_dim3A_8, %scan3A_27 = %broadcast_in_dim3A_8, %scan3A_28 = %broadcast_in_dim3A_8) -> (vector<16xi32>, vector<16xi32>, vector<16xi32>)  : i32 {
        %mul3A = arith.constant 16 : i32
        %mul3A_29 = arith.muli %scan3A_25, %mul3A : i32
        %get3A = arith.index_cast %mul3A_29 : i32 to index
        %get3A_30 = tpu.vector_load %arg4[%get3A] {strides = array<i32>} : memref<4096xi32, #tpu.memory_space<vmem>>, vector<16xi32>,
        %get3A_31 = vector.shape_cast %get3A_30 : vector<16xi32> to vector<16xi32>
        %lt3A = arith.constant 1 : i32
        %lt3A_32 = vector.broadcast %lt3A : i32 to vector<16xi32>
        %lt3A_33 = arith.cmpi slt, %get3A_31, %lt3A_32 : vector<16xi32>
        %select_n3A = arith.select %lt3A_33, %broadcast_in_dim3A_4, %broadcast_in_dim3A_6 : vector<16xi1>, vector<16xi32>
        %add3A = arith.addi %scan3A_26, %select_n3A : vector<16xi32>
        %lt3A_34 = arith.constant 2 : i32
        %lt3A_35 = vector.broadcast %lt3A_34 : i32 to vector<16xi32>
        %lt3A_36 = arith.cmpi slt, %get3A_31, %lt3A_35 : vector<16xi32>
        %select_n3A_37 = arith.select %lt3A_36, %broadcast_in_dim3A_4, %broadcast_in_dim3A_6 : vector<16xi1>, vector<16xi32>
        %add3A_38 = arith.addi %scan3A_27, %select_n3A_37 : vector<16xi32>
        %lt3A_39 = arith.constant 3 : i32
        %lt3A_40 = vector.broadcast %lt3A_39 : i32 to vector<16xi32>
        %lt3A_41 = arith.cmpi slt, %get3A_31, %lt3A_40 : vector<16xi32>
        %select_n3A_42 = arith.select %lt3A_41, %broadcast_in_dim3A_4, %broadcast_in_dim3A_6 : vector<16xi1>, vector<16xi32>
        %add3A_43 = arith.addi %scan3A_28, %select_n3A_42 : vector<16xi32>
        scf.yield %add3A, %add3A_38, %add3A_43 : vector<16xi32>, vector<16xi32>, vector<16xi32>
      }
      %scan3A_13 = arith.constant 256 : i32
      %swap3A = arith.constant 0 : index
      %swap3A_14 = tpu.vector_load %arg5[%swap3A] {strides = array<i32>} : memref<48xi32, #tpu.memory_space<vmem>>, vector<16xi32>,
      %swap3A_15 = vector.shape_cast %swap3A_14 : vector<16xi32> to vector<16xi32>
      %swap3A_16 = vector.shape_cast %scan3A_12#0 : vector<16xi32> to vector<16xi32>
      tpu.vector_store %arg5[%swap3A], %swap3A_16 {strides = array<i32>} : memref<48xi32, #tpu.memory_space<vmem>>, vector<16xi32>,
      %swap3A_17 = arith.constant 16 : index
      %swap3A_18 = tpu.vector_load %arg5[%swap3A_17] {strides = array<i32>} : memref<48xi32, #tpu.memory_space<vmem>>, vector<16xi32>,
      %swap3A_19 = vector.shape_cast %swap3A_18 : vector<16xi32> to vector<16xi32>
      %swap3A_20 = vector.shape_cast %scan3A_12#1 : vector<16xi32> to vector<16xi32>
      tpu.vector_store %arg5[%swap3A_17], %swap3A_20 {strides = array<i32>} : memref<48xi32, #tpu.memory_space<vmem>>, vector<16xi32>,
      %swap3A_21 = arith.constant 32 : index
      %swap3A_22 = tpu.vector_load %arg5[%swap3A_21] {strides = array<i32>} : memref<48xi32, #tpu.memory_space<vmem>>, vector<16xi32>,
      %swap3A_23 = vector.shape_cast %swap3A_22 : vector<16xi32> to vector<16xi32>
      %swap3A_24 = vector.shape_cast %scan3A_12#2 : vector<16xi32> to vector<16xi32>
      tpu.vector_store %arg5[%swap3A_21], %swap3A_24 {strides = array<i32>} : memref<48xi32, #tpu.memory_space<vmem>>, vector<16xi32>,
      "tpu.region"() ({
        %run_scoped3A = tpu.sem_alloc : memref<!tpu.dma_semaphore, #tpu.memory_space<semaphore_mem>>
        tpu.enqueue_dma source(%arg5 : memref<48xi32, #tpu.memory_space<vmem>>) target(%arg3 : memref<48xi32, #tpu.memory_space<hbm>>) target_semaphore(%run_scoped3A : memref<!tpu.dma_semaphore, #tpu.memory_space<semaphore_mem>>)
        tpu.wait_dma2 semaphore(%run_scoped3A : memref<!tpu.dma_semaphore, #tpu.memory_space<semaphore_mem>>) src(%arg5 : memref<48xi32, #tpu.memory_space<vmem>>) dst(%arg3 : memref<48xi32, #tpu.memory_space<hbm>>)
        tpu.yield
      }) : () -> ()
    } else {
    }
    return
  }
}

module attributes {stable_mosaic.version = 14 : i64} {
  func.func @_fused(%arg0: memref<1x4096xi32, #tpu.memory_space<smem>>, %arg1: memref<48xi32, #tpu.memory_space<smem>>, %arg2: memref<4096x16xf32, #tpu.memory_space<vmem>>, %arg3: memref<4096x1xi32, #tpu.memory_space<vmem>>, %arg4: memref<16x32xf32, #tpu.memory_space<vmem>>, %arg5: memref<32x32xf32, #tpu.memory_space<vmem>>, %arg6: memref<32x32xf32, #tpu.memory_space<vmem>>, %arg7: memref<32x32xf32, #tpu.memory_space<vmem>>, %arg8: memref<32x32xf32, #tpu.memory_space<vmem>>, %arg9: memref<1x32xf32, #tpu.memory_space<vmem>>, %arg10: memref<1x32xf32, #tpu.memory_space<vmem>>, %arg11: memref<4096x32xf32, #tpu.memory_space<vmem>>, %arg12: memref<4096x32xf32, #tpu.memory_space<vmem>>, %arg13: memref<4096x40xbf16, #tpu.memory_space<vmem>>, %arg14: memref<4096x40xbf16, #tpu.memory_space<vmem>>, %arg15: memref<4096x33xbf16, #tpu.memory_space<vmem>>, %arg16: memref<4096x32xf32, #tpu.memory_space<vmem>>, %arg17: memref<1x5xi32, #tpu.memory_space<smem>>) attributes {dimension_semantics = [], scalar_prefetch = 0 : i64, scratch_operands = 6 : i64, tpu.core_type = #tpu.core_type<tc>} {
    %swap3A = arith.constant 0 : i32
    %swap3A_0 = arith.constant 0 : index
    %swap3A_1 = arith.constant 0 : index
    %swap3A_2 = memref.load %arg17[%swap3A_0, %swap3A_1] : memref<1x5xi32, #tpu.memory_space<smem>>
    memref.store %swap3A, %arg17[%swap3A_0, %swap3A_1] : memref<1x5xi32, #tpu.memory_space<smem>>
    %swap3A_3 = arith.constant 4096 : i32
    %swap3A_4 = arith.constant 0 : index
    %swap3A_5 = arith.constant 4 : index
    %swap3A_6 = memref.load %arg17[%swap3A_4, %swap3A_5] : memref<1x5xi32, #tpu.memory_space<smem>>
    memref.store %swap3A_3, %arg17[%swap3A_4, %swap3A_5] : memref<1x5xi32, #tpu.memory_space<smem>>
    %get3A = arith.constant 0 : index
    %get3A_7 = memref.load %arg1[%get3A] : memref<48xi32, #tpu.memory_space<smem>>
    %get3A_8 = arith.constant 1 : index
    %get3A_9 = memref.load %arg1[%get3A_8] : memref<48xi32, #tpu.memory_space<smem>>
    %add3A = arith.addi %get3A_7, %get3A_9 : i32
    %get3A_10 = arith.constant 2 : index
    %get3A_11 = memref.load %arg1[%get3A_10] : memref<48xi32, #tpu.memory_space<smem>>
    %add3A_12 = arith.addi %add3A, %get3A_11 : i32
    %get3A_13 = arith.constant 3 : index
    %get3A_14 = memref.load %arg1[%get3A_13] : memref<48xi32, #tpu.memory_space<smem>>
    %add3A_15 = arith.addi %add3A_12, %get3A_14 : i32
    %get3A_16 = arith.constant 4 : index
    %get3A_17 = memref.load %arg1[%get3A_16] : memref<48xi32, #tpu.memory_space<smem>>
    %add3A_18 = arith.addi %add3A_15, %get3A_17 : i32
    %get3A_19 = arith.constant 5 : index
    %get3A_20 = memref.load %arg1[%get3A_19] : memref<48xi32, #tpu.memory_space<smem>>
    %add3A_21 = arith.addi %add3A_18, %get3A_20 : i32
    %get3A_22 = arith.constant 6 : index
    %get3A_23 = memref.load %arg1[%get3A_22] : memref<48xi32, #tpu.memory_space<smem>>
    %add3A_24 = arith.addi %add3A_21, %get3A_23 : i32
    %get3A_25 = arith.constant 7 : index
    %get3A_26 = memref.load %arg1[%get3A_25] : memref<48xi32, #tpu.memory_space<smem>>
    %add3A_27 = arith.addi %add3A_24, %get3A_26 : i32
    %get3A_28 = arith.constant 8 : index
    %get3A_29 = memref.load %arg1[%get3A_28] : memref<48xi32, #tpu.memory_space<smem>>
    %add3A_30 = arith.addi %add3A_27, %get3A_29 : i32
    %get3A_31 = arith.constant 9 : index
    %get3A_32 = memref.load %arg1[%get3A_31] : memref<48xi32, #tpu.memory_space<smem>>
    %add3A_33 = arith.addi %add3A_30, %get3A_32 : i32
    %get3A_34 = arith.constant 10 : index
    %get3A_35 = memref.load %arg1[%get3A_34] : memref<48xi32, #tpu.memory_space<smem>>
    %add3A_36 = arith.addi %add3A_33, %get3A_35 : i32
    %get3A_37 = arith.constant 11 : index
    %get3A_38 = memref.load %arg1[%get3A_37] : memref<48xi32, #tpu.memory_space<smem>>
    %add3A_39 = arith.addi %add3A_36, %get3A_38 : i32
    %get3A_40 = arith.constant 12 : index
    %get3A_41 = memref.load %arg1[%get3A_40] : memref<48xi32, #tpu.memory_space<smem>>
    %add3A_42 = arith.addi %add3A_39, %get3A_41 : i32
    %get3A_43 = arith.constant 13 : index
    %get3A_44 = memref.load %arg1[%get3A_43] : memref<48xi32, #tpu.memory_space<smem>>
    %add3A_45 = arith.addi %add3A_42, %get3A_44 : i32
    %get3A_46 = arith.constant 14 : index
    %get3A_47 = memref.load %arg1[%get3A_46] : memref<48xi32, #tpu.memory_space<smem>>
    %add3A_48 = arith.addi %add3A_45, %get3A_47 : i32
    %get3A_49 = arith.constant 15 : index
    %get3A_50 = memref.load %arg1[%get3A_49] : memref<48xi32, #tpu.memory_space<smem>>
    %add3A_51 = arith.addi %add3A_48, %get3A_50 : i32
    %swap3A_52 = arith.constant 0 : index
    %swap3A_53 = arith.constant 1 : index
    %swap3A_54 = memref.load %arg17[%swap3A_52, %swap3A_53] : memref<1x5xi32, #tpu.memory_space<smem>>
    memref.store %add3A_51, %arg17[%swap3A_52, %swap3A_53] : memref<1x5xi32, #tpu.memory_space<smem>>
    %get3A_55 = arith.constant 16 : index
    %get3A_56 = memref.load %arg1[%get3A_55] : memref<48xi32, #tpu.memory_space<smem>>
    %get3A_57 = arith.constant 17 : index
    %get3A_58 = memref.load %arg1[%get3A_57] : memref<48xi32, #tpu.memory_space<smem>>
    %add3A_59 = arith.addi %get3A_56, %get3A_58 : i32
    %get3A_60 = arith.constant 18 : index
    %get3A_61 = memref.load %arg1[%get3A_60] : memref<48xi32, #tpu.memory_space<smem>>
    %add3A_62 = arith.addi %add3A_59, %get3A_61 : i32
    %get3A_63 = arith.constant 19 : index
    %get3A_64 = memref.load %arg1[%get3A_63] : memref<48xi32, #tpu.memory_space<smem>>
    %add3A_65 = arith.addi %add3A_62, %get3A_64 : i32
    %get3A_66 = arith.constant 20 : index
    %get3A_67 = memref.load %arg1[%get3A_66] : memref<48xi32, #tpu.memory_space<smem>>
    %add3A_68 = arith.addi %add3A_65, %get3A_67 : i32
    %get3A_69 = arith.constant 21 : index
    %get3A_70 = memref.load %arg1[%get3A_69] : memref<48xi32, #tpu.memory_space<smem>>
    %add3A_71 = arith.addi %add3A_68, %get3A_70 : i32
    %get3A_72 = arith.constant 22 : index
    %get3A_73 = memref.load %arg1[%get3A_72] : memref<48xi32, #tpu.memory_space<smem>>
    %add3A_74 = arith.addi %add3A_71, %get3A_73 : i32
    %get3A_75 = arith.constant 23 : index
    %get3A_76 = memref.load %arg1[%get3A_75] : memref<48xi32, #tpu.memory_space<smem>>
    %add3A_77 = arith.addi %add3A_74, %get3A_76 : i32
    %get3A_78 = arith.constant 24 : index
    %get3A_79 = memref.load %arg1[%get3A_78] : memref<48xi32, #tpu.memory_space<smem>>
    %add3A_80 = arith.addi %add3A_77, %get3A_79 : i32
    %get3A_81 = arith.constant 25 : index
    %get3A_82 = memref.load %arg1[%get3A_81] : memref<48xi32, #tpu.memory_space<smem>>
    %add3A_83 = arith.addi %add3A_80, %get3A_82 : i32
    %get3A_84 = arith.constant 26 : index
    %get3A_85 = memref.load %arg1[%get3A_84] : memref<48xi32, #tpu.memory_space<smem>>
    %add3A_86 = arith.addi %add3A_83, %get3A_85 : i32
    %get3A_87 = arith.constant 27 : index
    %get3A_88 = memref.load %arg1[%get3A_87] : memref<48xi32, #tpu.memory_space<smem>>
    %add3A_89 = arith.addi %add3A_86, %get3A_88 : i32
    %get3A_90 = arith.constant 28 : index
    %get3A_91 = memref.load %arg1[%get3A_90] : memref<48xi32, #tpu.memory_space<smem>>
    %add3A_92 = arith.addi %add3A_89, %get3A_91 : i32
    %get3A_93 = arith.constant 29 : index
    %get3A_94 = memref.load %arg1[%get3A_93] : memref<48xi32, #tpu.memory_space<smem>>
    %add3A_95 = arith.addi %add3A_92, %get3A_94 : i32
    %get3A_96 = arith.constant 30 : index
    %get3A_97 = memref.load %arg1[%get3A_96] : memref<48xi32, #tpu.memory_space<smem>>
    %add3A_98 = arith.addi %add3A_95, %get3A_97 : i32
    %get3A_99 = arith.constant 31 : index
    %get3A_100 = memref.load %arg1[%get3A_99] : memref<48xi32, #tpu.memory_space<smem>>
    %add3A_101 = arith.addi %add3A_98, %get3A_100 : i32
    %swap3A_102 = arith.constant 0 : index
    %swap3A_103 = arith.constant 2 : index
    %swap3A_104 = memref.load %arg17[%swap3A_102, %swap3A_103] : memref<1x5xi32, #tpu.memory_space<smem>>
    memref.store %add3A_101, %arg17[%swap3A_102, %swap3A_103] : memref<1x5xi32, #tpu.memory_space<smem>>
    %get3A_105 = arith.constant 32 : index
    %get3A_106 = memref.load %arg1[%get3A_105] : memref<48xi32, #tpu.memory_space<smem>>
    %get3A_107 = arith.constant 33 : index
    %get3A_108 = memref.load %arg1[%get3A_107] : memref<48xi32, #tpu.memory_space<smem>>
    %add3A_109 = arith.addi %get3A_106, %get3A_108 : i32
    %get3A_110 = arith.constant 34 : index
    %get3A_111 = memref.load %arg1[%get3A_110] : memref<48xi32, #tpu.memory_space<smem>>
    %add3A_112 = arith.addi %add3A_109, %get3A_111 : i32
    %get3A_113 = arith.constant 35 : index
    %get3A_114 = memref.load %arg1[%get3A_113] : memref<48xi32, #tpu.memory_space<smem>>
    %add3A_115 = arith.addi %add3A_112, %get3A_114 : i32
    %get3A_116 = arith.constant 36 : index
    %get3A_117 = memref.load %arg1[%get3A_116] : memref<48xi32, #tpu.memory_space<smem>>
    %add3A_118 = arith.addi %add3A_115, %get3A_117 : i32
    %get3A_119 = arith.constant 37 : index
    %get3A_120 = memref.load %arg1[%get3A_119] : memref<48xi32, #tpu.memory_space<smem>>
    %add3A_121 = arith.addi %add3A_118, %get3A_120 : i32
    %get3A_122 = arith.constant 38 : index
    %get3A_123 = memref.load %arg1[%get3A_122] : memref<48xi32, #tpu.memory_space<smem>>
    %add3A_124 = arith.addi %add3A_121, %get3A_123 : i32
    %get3A_125 = arith.constant 39 : index
    %get3A_126 = memref.load %arg1[%get3A_125] : memref<48xi32, #tpu.memory_space<smem>>
    %add3A_127 = arith.addi %add3A_124, %get3A_126 : i32
    %get3A_128 = arith.constant 40 : index
    %get3A_129 = memref.load %arg1[%get3A_128] : memref<48xi32, #tpu.memory_space<smem>>
    %add3A_130 = arith.addi %add3A_127, %get3A_129 : i32
    %get3A_131 = arith.constant 41 : index
    %get3A_132 = memref.load %arg1[%get3A_131] : memref<48xi32, #tpu.memory_space<smem>>
    %add3A_133 = arith.addi %add3A_130, %get3A_132 : i32
    %get3A_134 = arith.constant 42 : index
    %get3A_135 = memref.load %arg1[%get3A_134] : memref<48xi32, #tpu.memory_space<smem>>
    %add3A_136 = arith.addi %add3A_133, %get3A_135 : i32
    %get3A_137 = arith.constant 43 : index
    %get3A_138 = memref.load %arg1[%get3A_137] : memref<48xi32, #tpu.memory_space<smem>>
    %add3A_139 = arith.addi %add3A_136, %get3A_138 : i32
    %get3A_140 = arith.constant 44 : index
    %get3A_141 = memref.load %arg1[%get3A_140] : memref<48xi32, #tpu.memory_space<smem>>
    %add3A_142 = arith.addi %add3A_139, %get3A_141 : i32
    %get3A_143 = arith.constant 45 : index
    %get3A_144 = memref.load %arg1[%get3A_143] : memref<48xi32, #tpu.memory_space<smem>>
    %add3A_145 = arith.addi %add3A_142, %get3A_144 : i32
    %get3A_146 = arith.constant 46 : index
    %get3A_147 = memref.load %arg1[%get3A_146] : memref<48xi32, #tpu.memory_space<smem>>
    %add3A_148 = arith.addi %add3A_145, %get3A_147 : i32
    %get3A_149 = arith.constant 47 : index
    %get3A_150 = memref.load %arg1[%get3A_149] : memref<48xi32, #tpu.memory_space<smem>>
    %add3A_151 = arith.addi %add3A_148, %get3A_150 : i32
    %swap3A_152 = arith.constant 0 : index
    %swap3A_153 = arith.constant 3 : index
    %swap3A_154 = memref.load %arg17[%swap3A_152, %swap3A_153] : memref<1x5xi32, #tpu.memory_space<smem>>
    memref.store %add3A_151, %arg17[%swap3A_152, %swap3A_153] : memref<1x5xi32, #tpu.memory_space<smem>>
    %get3A_155 = arith.constant 0 : index
    %get3A_156 = arith.constant 0 : index
    %get3A_157 = vector.load %arg2[%get3A_155, %get3A_156] : memref<4096x16xf32, #tpu.memory_space<vmem>>, vector<4096x16xf32>
    %get3A_158 = arith.constant 0 : index
    %get3A_159 = arith.constant 0 : index
    %get3A_160 = vector.load %arg4[%get3A_158, %get3A_159] : memref<16x32xf32, #tpu.memory_space<vmem>>, vector<16x32xf32>
    %dot_general3A = arith.constant dense<0.000000e+00> : vector<4096x32xf32>
    %dot_general3A_161 = tpu.matmul %get3A_157, %get3A_160, %dot_general3A {dimension_numbers = #tpu.dot_dimension_numbers<[1], [0], [0], [1], [0, 0, 1, 1], [], []>, transpose_lhs_hint = false} : vector<4096x16xf32>, vector<16x32xf32>, vector<4096x32xf32> -> vector<4096x32xf32>
    %swap3A_162 = arith.constant 0 : index
    %swap3A_163 = arith.constant 0 : index
    %swap3A_164 = vector.load %arg12[%swap3A_162, %swap3A_163] : memref<4096x32xf32, #tpu.memory_space<vmem>>, vector<4096x32xf32>
    tpu.vector_store %arg12[%swap3A_162, %swap3A_163], %dot_general3A_161 {strides = array<i32>} : memref<4096x32xf32, #tpu.memory_space<vmem>>, vector<4096x32xf32>,
    %iota3A = tpu.iota {dimensions = array<i32: 1>} : vector<4096x8xi32>
    %get3A_165 = arith.constant 0 : index
    %get3A_166 = arith.constant 0 : index
    %get3A_167 = vector.load %arg3[%get3A_165, %get3A_166] : memref<4096x1xi32, #tpu.memory_space<vmem>>, vector<4096x1xi32>
    %eq3A = vector.broadcast %get3A_167 : vector<4096x1xi32> to vector<4096x8xi32>
    %eq3A_168 = arith.cmpi eq, %eq3A, %iota3A : vector<4096x8xi32>
    %jit3A = arith.constant 5.47722578 : f32
    %jit3A_169 = arith.constant 0.000000e+00 : f32
    %broadcast_in_dim3A = vector.broadcast %jit3A : f32 to vector<4096x8xf32>
    %broadcast_in_dim3A_170 = vector.broadcast %jit3A_169 : f32 to vector<4096x8xf32>
    %select_n3A = arith.select %eq3A_168, %broadcast_in_dim3A, %broadcast_in_dim3A_170 : vector<4096x8xi1>, vector<4096x8xf32>
    %eq3A_171 = arith.constant 4 : i32
    %eq3A_172 = vector.broadcast %eq3A_171 : i32 to vector<4096x8xi32>
    %eq3A_173 = arith.cmpi eq, %iota3A, %eq3A_172 : vector<4096x8xi32>
    %jit3A_174 = arith.constant 5.47722578 : f32
    %jit3A_175 = arith.constant 0.000000e+00 : f32
    %broadcast_in_dim3A_176 = vector.broadcast %jit3A_174 : f32 to vector<4096x8xf32>
    %broadcast_in_dim3A_177 = vector.broadcast %jit3A_175 : f32 to vector<4096x8xf32>
    %select_n3A_178 = arith.select %eq3A_173, %broadcast_in_dim3A_176, %broadcast_in_dim3A_177 : vector<4096x8xi1>, vector<4096x8xf32>
    %get3A_179 = arith.constant 0 : index
    %get3A_180 = arith.constant 0 : index
    %get3A_181 = vector.load %arg5[%get3A_179, %get3A_180] : memref<32x32xf32, #tpu.memory_space<vmem>>, vector<32x32xf32>
    %dot_general3A_182 = arith.constant dense<0.000000e+00> : vector<4096x32xf32>
    %dot_general3A_183 = tpu.matmul %dot_general3A_161, %get3A_181, %dot_general3A_182 {dimension_numbers = #tpu.dot_dimension_numbers<[1], [0], [0], [1], [0, 0, 1, 1], [], []>, transpose_lhs_hint = false} : vector<4096x32xf32>, vector<32x32xf32>, vector<4096x32xf32> -> vector<4096x32xf32>
    %convert_element_type3A = arith.truncf %dot_general3A_183 : vector<4096x32xf32> to vector<4096x32xbf16>
    %swap3A_184 = arith.constant 0 : index
    %swap3A_185 = arith.constant 0 : index
    %swap3A_186 = vector.load %arg13[%swap3A_184, %swap3A_185] : memref<4096x40xbf16, #tpu.memory_space<vmem>>, vector<4096x32xbf16>
    tpu.vector_store %arg13[%swap3A_184, %swap3A_185], %convert_element_type3A {strides = array<i32>} : memref<4096x40xbf16, #tpu.memory_space<vmem>>, vector<4096x32xbf16>,
    %add3A_187 = arith.addf %select_n3A, %select_n3A_178 : vector<4096x8xf32>
    %convert_element_type3A_188 = arith.truncf %add3A_187 : vector<4096x8xf32> to vector<4096x8xbf16>
    %swap3A_189 = arith.constant 0 : index
    %swap3A_190 = arith.constant 32 : index
    %swap3A_191 = vector.load %arg13[%swap3A_189, %swap3A_190] : memref<4096x40xbf16, #tpu.memory_space<vmem>>, vector<4096x8xbf16>
    tpu.vector_store %arg13[%swap3A_189, %swap3A_190], %convert_element_type3A_188 {strides = array<i32>} : memref<4096x40xbf16, #tpu.memory_space<vmem>>, vector<4096x8xbf16>,
    %get3A_192 = arith.constant 0 : index
    %get3A_193 = arith.constant 0 : index
    %get3A_194 = vector.load %arg6[%get3A_192, %get3A_193] : memref<32x32xf32, #tpu.memory_space<vmem>>, vector<32x32xf32>
    %dot_general3A_195 = arith.constant dense<0.000000e+00> : vector<4096x32xf32>
    %dot_general3A_196 = tpu.matmul %dot_general3A_161, %get3A_194, %dot_general3A_195 {dimension_numbers = #tpu.dot_dimension_numbers<[1], [0], [0], [1], [0, 0, 1, 1], [], []>, transpose_lhs_hint = false} : vector<4096x32xf32>, vector<32x32xf32>, vector<4096x32xf32> -> vector<4096x32xf32>
    %convert_element_type3A_197 = arith.truncf %dot_general3A_196 : vector<4096x32xf32> to vector<4096x32xbf16>
    %swap3A_198 = arith.constant 0 : index
    %swap3A_199 = arith.constant 0 : index
    %swap3A_200 = vector.load %arg14[%swap3A_198, %swap3A_199] : memref<4096x40xbf16, #tpu.memory_space<vmem>>, vector<4096x32xbf16>
    tpu.vector_store %arg14[%swap3A_198, %swap3A_199], %convert_element_type3A_197 {strides = array<i32>} : memref<4096x40xbf16, #tpu.memory_space<vmem>>, vector<4096x32xbf16>,
    %sub3A = arith.subf %select_n3A, %select_n3A_178 : vector<4096x8xf32>
    %convert_element_type3A_201 = arith.truncf %sub3A : vector<4096x8xf32> to vector<4096x8xbf16>
    %swap3A_202 = arith.constant 0 : index
    %swap3A_203 = arith.constant 32 : index
    %swap3A_204 = vector.load %arg14[%swap3A_202, %swap3A_203] : memref<4096x40xbf16, #tpu.memory_space<vmem>>, vector<4096x8xbf16>
    tpu.vector_store %arg14[%swap3A_202, %swap3A_203], %convert_element_type3A_201 {strides = array<i32>} : memref<4096x40xbf16, #tpu.memory_space<vmem>>, vector<4096x8xbf16>,
    %get3A_205 = arith.constant 0 : index
    %get3A_206 = arith.constant 0 : index
    %get3A_207 = vector.load %arg7[%get3A_205, %get3A_206] : memref<32x32xf32, #tpu.memory_space<vmem>>, vector<32x32xf32>
    %dot_general3A_208 = arith.constant dense<0.000000e+00> : vector<4096x32xf32>
    %dot_general3A_209 = tpu.matmul %dot_general3A_161, %get3A_207, %dot_general3A_208 {dimension_numbers = #tpu.dot_dimension_numbers<[1], [0], [0], [1], [0, 0, 1, 1], [], []>, transpose_lhs_hint = false} : vector<4096x32xf32>, vector<32x32xf32>, vector<4096x32xf32> -> vector<4096x32xf32>
    %convert_element_type3A_210 = arith.truncf %dot_general3A_209 : vector<4096x32xf32> to vector<4096x32xbf16>
    %swap3A_211 = arith.constant 0 : index
    %swap3A_212 = arith.constant 0 : index
    %swap3A_213 = vector.load %arg15[%swap3A_211, %swap3A_212] : memref<4096x33xbf16, #tpu.memory_space<vmem>>, vector<4096x32xbf16>
    tpu.vector_store %arg15[%swap3A_211, %swap3A_212], %convert_element_type3A_210 {strides = array<i32>} : memref<4096x33xbf16, #tpu.memory_space<vmem>>, vector<4096x32xbf16>,
    %broadcast_in_dim3A_214 = arith.constant 1.000000e+00 : bf16
    %broadcast_in_dim3A_215 = vector.broadcast %broadcast_in_dim3A_214 : bf16 to vector<4096x1xbf16>
    %swap3A_216 = arith.constant 0 : index
    %swap3A_217 = arith.constant 32 : index
    %swap3A_218 = vector.load %arg15[%swap3A_216, %swap3A_217] : memref<4096x33xbf16, #tpu.memory_space<vmem>>, vector<4096x1xbf16>
    tpu.vector_store %arg15[%swap3A_216, %swap3A_217], %broadcast_in_dim3A_215 {strides = array<i32>} : memref<4096x33xbf16, #tpu.memory_space<vmem>>, vector<4096x1xbf16>,
    %get3A_219 = arith.constant 0 : index
    %get3A_220 = arith.constant 0 : index
    %get3A_221 = vector.load %arg8[%get3A_219, %get3A_220] : memref<32x32xf32, #tpu.memory_space<vmem>>, vector<32x32xf32>
    %broadcast_in_dim3A_222 = arith.constant 0.000000e+00 : f32
    %broadcast_in_dim3A_223 = vector.broadcast %broadcast_in_dim3A_222 : f32 to vector<1x32xf32>
    %broadcast_in_dim3A_224 = arith.constant 0.000000e+00 : f32
    %broadcast_in_dim3A_225 = vector.broadcast %broadcast_in_dim3A_224 : f32 to vector<1x32xf32>
    %get3A_226 = arith.constant 0 : index
    %get3A_227 = arith.constant 0 : index
    %get3A_228 = vector.load %arg13[%get3A_226, %get3A_227] : memref<4096x40xbf16, #tpu.memory_space<vmem>>, vector<512x40xbf16>
    %broadcast_in_dim3A_229 = arith.constant 0.000000e+00 : f32
    %broadcast_in_dim3A_230 = vector.broadcast %broadcast_in_dim3A_229 : f32 to vector<512x33xf32>
    %get3A_231 = arith.constant 0 : index
    %get3A_232 = arith.constant 0 : index
    %get3A_233 = memref.load %arg0[%get3A_231, %get3A_232] : memref<1x4096xi32, #tpu.memory_space<smem>>
    %get3A_234 = arith.constant 0 : index
    %get3A_235 = arith.constant 511 : index
    %get3A_236 = memref.load %arg0[%get3A_234, %get3A_235] : memref<1x4096xi32, #tpu.memory_space<smem>>
    %get3A_237 = arith.constant 0 : index
    %get3A_238 = arith.index_cast %get3A_233 : i32 to index
    %get3A_239 = memref.load %arg17[%get3A_237, %get3A_238] : memref<1x5xi32, #tpu.memory_space<smem>>
    %jit3A_240 = arith.constant 1024 : i32
    %div3A = arith.divsi %get3A_239, %jit3A_240 : i32
    %sign3A = arith.constant 0 : i32
    %sign3A_241 = arith.cmpi sgt, %get3A_239, %sign3A : i32
    %sign3A_242 = arith.extui %sign3A_241 : i1 to i32
    %sign3A_243 = arith.constant 0 : i32
    %sign3A_244 = arith.cmpi slt, %get3A_239, %sign3A_243 : i32
    %sign3A_245 = arith.extui %sign3A_244 : i1 to i32
    %sign3A_246 = arith.subi %sign3A_242, %sign3A_245 : i32
    %sign3A_247 = arith.constant 0 : i32
    %sign3A_248 = arith.cmpi sgt, %jit3A_240, %sign3A_247 : i32
    %sign3A_249 = arith.extui %sign3A_248 : i1 to i32
    %sign3A_250 = arith.constant 0 : i32
    %sign3A_251 = arith.cmpi slt, %jit3A_240, %sign3A_250 : i32
    %sign3A_252 = arith.extui %sign3A_251 : i1 to i32
    %sign3A_253 = arith.subi %sign3A_249, %sign3A_252 : i32
    %ne3A = arith.cmpi ne, %sign3A_246, %sign3A_253 : i32
    %rem3A = arith.remsi %get3A_239, %jit3A_240 : i32
    %ne3A_254 = arith.constant 0 : i32
    %ne3A_255 = arith.cmpi ne, %rem3A, %ne3A_254 : i32
    %and3A = arith.andi %ne3A, %ne3A_255 : i1
    %sub3A_256 = arith.constant 1 : i32
    %sub3A_257 = arith.subi %div3A, %sub3A_256 : i32
    %select_n3A_258 = arith.select %and3A, %sub3A_257, %div3A : i32
    %add3A_259 = arith.constant 1 : i32
    %add3A_260 = arith.addi %get3A_236, %add3A_259 : i32
    %get3A_261 = arith.constant 0 : index
    %get3A_262 = arith.index_cast %add3A_260 : i32 to index
    %get3A_263 = memref.load %arg17[%get3A_261, %get3A_262] : memref<1x5xi32, #tpu.memory_space<smem>>
    %add3A_264 = arith.constant 1024 : i32
    %add3A_265 = arith.addi %get3A_263, %add3A_264 : i32
    %sub3A_266 = arith.constant 1 : i32
    %sub3A_267 = arith.subi %add3A_265, %sub3A_266 : i32
    %jit3A_268 = arith.constant 1024 : i32
    %div3A_269 = arith.divsi %sub3A_267, %jit3A_268 : i32
    %sign3A_270 = arith.constant 0 : i32
    %sign3A_271 = arith.cmpi sgt, %sub3A_267, %sign3A_270 : i32
    %sign3A_272 = arith.extui %sign3A_271 : i1 to i32
    %sign3A_273 = arith.constant 0 : i32
    %sign3A_274 = arith.cmpi slt, %sub3A_267, %sign3A_273 : i32
    %sign3A_275 = arith.extui %sign3A_274 : i1 to i32
    %sign3A_276 = arith.subi %sign3A_272, %sign3A_275 : i32
    %sign3A_277 = arith.constant 0 : i32
    %sign3A_278 = arith.cmpi sgt, %jit3A_268, %sign3A_277 : i32
    %sign3A_279 = arith.extui %sign3A_278 : i1 to i32
    %sign3A_280 = arith.constant 0 : i32
    %sign3A_281 = arith.cmpi slt, %jit3A_268, %sign3A_280 : i32
    %sign3A_282 = arith.extui %sign3A_281 : i1 to i32
    %sign3A_283 = arith.subi %sign3A_279, %sign3A_282 : i32
    %ne3A_284 = arith.cmpi ne, %sign3A_276, %sign3A_283 : i32
    %rem3A_285 = arith.remsi %sub3A_267, %jit3A_268 : i32
    %ne3A_286 = arith.constant 0 : i32
    %ne3A_287 = arith.cmpi ne, %rem3A_285, %ne3A_286 : i32
    %and3A_288 = arith.andi %ne3A_284, %ne3A_287 : i1
    %sub3A_289 = arith.constant 1 : i32
    %sub3A_290 = arith.subi %div3A_269, %sub3A_289 : i32
    %select_n3A_291 = arith.select %and3A_288, %sub3A_290, %div3A_269 : i32
    %while3A = arith.subi %select_n3A_291, %select_n3A_258 : i32
    %while3A_292 = arith.addi %select_n3A_258, %while3A : i32
    %while3A_293 = arith.constant 1 : i32
    %while3A_294 = arith.divsi %while3A, %while3A_293 : i32
    %while3A_295 = arith.muli %while3A_294, %while3A_293 : i32
    %while3A_296 = arith.addi %select_n3A_258, %while3A_295 : i32
    %while3A_297 = arith.constant 1 : i32
    %while3A_298 = scf.for %while3A_1155 = %select_n3A_258 to %while3A_296 step %while3A_297 iter_args(%while3A_1156 = %broadcast_in_dim3A_230) -> (vector<512x33xf32>)  : i32 {
      %mul3A_1157 = arith.constant 1024 : i32
      %mul3A_1158 = arith.muli %while3A_1155, %mul3A_1157 : i32
      %get3A_1159 = arith.index_cast %mul3A_1158 : i32 to index
      %get3A_1160 = arith.constant 0 : index
      %get3A_1161 = vector.load %arg14[%get3A_1159, %get3A_1160] : memref<4096x40xbf16, #tpu.memory_space<vmem>>, vector<1024x40xbf16>
      %get3A_1162 = arith.index_cast %mul3A_1158 : i32 to index
      %get3A_1163 = arith.constant 0 : index
      %get3A_1164 = vector.load %arg15[%get3A_1162, %get3A_1163] : memref<4096x33xbf16, #tpu.memory_space<vmem>>, vector<1024x33xbf16>
      %dot_general3A_1165 = arith.constant dense<0.000000e+00> : vector<512x1024xf32>
      %dot_general3A_1166 = tpu.matmul %get3A_228, %get3A_1161, %dot_general3A_1165 {dimension_numbers = #tpu.dot_dimension_numbers<[1], [1], [0], [0], [0, 0, 1, 0], [], []>, transpose_lhs_hint = false} : vector<512x40xbf16>, vector<1024x40xbf16>, vector<512x1024xf32> -> vector<512x1024xf32>
      %exp3A = math.exp %dot_general3A_1166 : vector<512x1024xf32>
      %convert_element_type3A_1167 = arith.truncf %exp3A : vector<512x1024xf32> to vector<512x1024xbf16>
      %dot_general3A_1168 = arith.constant dense<0.000000e+00> : vector<512x33xf32>
      %dot_general3A_1169 = tpu.matmul %convert_element_type3A_1167, %get3A_1164, %dot_general3A_1168 {dimension_numbers = #tpu.dot_dimension_numbers<[1], [0], [0], [1], [0, 0, 1, 1], [], []>, transpose_lhs_hint = false} : vector<512x1024xbf16>, vector<1024x33xbf16>, vector<512x33xf32> -> vector<512x33xf32>
      %add3A_1170 = arith.addf %while3A_1156, %dot_general3A_1169 : vector<512x33xf32>
      scf.yield %add3A_1170 : vector<512x33xf32>
    }
    %while3A_299 = arith.constant 1 : i32
    %while3A_300 = scf.for %while3A_1155 = %while3A_296 to %while3A_292 step %while3A_299 iter_args(%while3A_1156 = %while3A_298) -> (vector<512x33xf32>)  : i32 {
      %mul3A_1157 = arith.constant 1024 : i32
      %mul3A_1158 = arith.muli %while3A_1155, %mul3A_1157 : i32
      %get3A_1159 = arith.index_cast %mul3A_1158 : i32 to index
      %get3A_1160 = arith.constant 0 : index
      %get3A_1161 = vector.load %arg14[%get3A_1159, %get3A_1160] : memref<4096x40xbf16, #tpu.memory_space<vmem>>, vector<1024x40xbf16>
      %get3A_1162 = arith.index_cast %mul3A_1158 : i32 to index
      %get3A_1163 = arith.constant 0 : index
      %get3A_1164 = vector.load %arg15[%get3A_1162, %get3A_1163] : memref<4096x33xbf16, #tpu.memory_space<vmem>>, vector<1024x33xbf16>
      %dot_general3A_1165 = arith.constant dense<0.000000e+00> : vector<512x1024xf32>
      %dot_general3A_1166 = tpu.matmul %get3A_228, %get3A_1161, %dot_general3A_1165 {dimension_numbers = #tpu.dot_dimension_numbers<[1], [1], [0], [0], [0, 0, 1, 0], [], []>, transpose_lhs_hint = false} : vector<512x40xbf16>, vector<1024x40xbf16>, vector<512x1024xf32> -> vector<512x1024xf32>
      %exp3A = math.exp %dot_general3A_1166 : vector<512x1024xf32>
      %convert_element_type3A_1167 = arith.truncf %exp3A : vector<512x1024xf32> to vector<512x1024xbf16>
      %dot_general3A_1168 = arith.constant dense<0.000000e+00> : vector<512x33xf32>
      %dot_general3A_1169 = tpu.matmul %convert_element_type3A_1167, %get3A_1164, %dot_general3A_1168 {dimension_numbers = #tpu.dot_dimension_numbers<[1], [0], [0], [1], [0, 0, 1, 1], [], []>, transpose_lhs_hint = false} : vector<512x1024xbf16>, vector<1024x33xbf16>, vector<512x33xf32> -> vector<512x33xf32>
      %add3A_1170 = arith.addf %while3A_1156, %dot_general3A_1169 : vector<512x33xf32>
      scf.yield %add3A_1170 : vector<512x33xf32>
    }
    %slice3A = vector.extract_strided_slice %while3A_300 {offsets = [0, 0], sizes = [512, 32], strides = [1, 1]} : vector<512x33xf32> to vector<512x32xf32>
    %slice3A_301 = vector.extract_strided_slice %while3A_300 {offsets = [0, 32], sizes = [512, 1], strides = [1, 1]} : vector<512x33xf32> to vector<512x1xf32>
    %div3A_302 = vector.broadcast %slice3A_301 : vector<512x1xf32> to vector<512x32xf32>
    %div3A_303 = arith.divf %slice3A, %div3A_302 : vector<512x32xf32>
    %dot_general3A_304 = arith.constant dense<0.000000e+00> : vector<512x32xf32>
    %dot_general3A_305 = tpu.matmul %div3A_303, %get3A_221, %dot_general3A_304 {dimension_numbers = #tpu.dot_dimension_numbers<[1], [0], [0], [1], [0, 0, 1, 1], [], []>, transpose_lhs_hint = false} : vector<512x32xf32>, vector<32x32xf32>, vector<512x32xf32> -> vector<512x32xf32>
    %swap3A_306 = arith.constant 0 : index
    %swap3A_307 = arith.constant 0 : index
    %swap3A_308 = vector.load %arg16[%swap3A_306, %swap3A_307] : memref<4096x32xf32, #tpu.memory_space<vmem>>, vector<512x32xf32>
    tpu.vector_store %arg16[%swap3A_306, %swap3A_307], %dot_general3A_305 {strides = array<i32>} : memref<4096x32xf32, #tpu.memory_space<vmem>>, vector<512x32xf32>,
    %reduce_sum3A = arith.constant dense<0.000000e+00> : vector<32xf32>
    %reduce_sum3A_309 = vector.multi_reduction <add>, %dot_general3A_305, %reduce_sum3A [0] : vector<512x32xf32> to vector<32xf32>
    %broadcast_in_dim3A_310 = vector.shape_cast %reduce_sum3A_309 : vector<32xf32> to vector<1x32xf32>
    %add3A_311 = arith.addf %broadcast_in_dim3A_223, %broadcast_in_dim3A_310 : vector<1x32xf32>
    %mul3A = arith.mulf %dot_general3A_305, %dot_general3A_305 : vector<512x32xf32>
    %reduce_sum3A_312 = arith.constant dense<0.000000e+00> : vector<32xf32>
    %reduce_sum3A_313 = vector.multi_reduction <add>, %mul3A, %reduce_sum3A_312 [0] : vector<512x32xf32> to vector<32xf32>
    %broadcast_in_dim3A_314 = vector.shape_cast %reduce_sum3A_313 : vector<32xf32> to vector<1x32xf32>
    %add3A_315 = arith.addf %broadcast_in_dim3A_225, %broadcast_in_dim3A_314 : vector<1x32xf32>
    %get3A_316 = arith.constant 512 : index
    %get3A_317 = arith.constant 0 : index
    %get3A_318 = vector.load %arg13[%get3A_316, %get3A_317] : memref<4096x40xbf16, #tpu.memory_space<vmem>>, vector<512x40xbf16>
    %broadcast_in_dim3A_319 = arith.constant 0.000000e+00 : f32
    %broadcast_in_dim3A_320 = vector.broadcast %broadcast_in_dim3A_319 : f32 to vector<512x33xf32>
    %get3A_321 = arith.constant 0 : index
    %get3A_322 = arith.constant 512 : index
    %get3A_323 = memref.load %arg0[%get3A_321, %get3A_322] : memref<1x4096xi32, #tpu.memory_space<smem>>
    %get3A_324 = arith.constant 0 : index
    %get3A_325 = arith.constant 1023 : index
    %get3A_326 = memref.load %arg0[%get3A_324, %get3A_325] : memref<1x4096xi32, #tpu.memory_space<smem>>
    %get3A_327 = arith.constant 0 : index
    %get3A_328 = arith.index_cast %get3A_323 : i32 to index
    %get3A_329 = memref.load %arg17[%get3A_327, %get3A_328] : memref<1x5xi32, #tpu.memory_space<smem>>
    %jit3A_330 = arith.constant 1024 : i32
    %div3A_331 = arith.divsi %get3A_329, %jit3A_330 : i32
    %sign3A_332 = arith.constant 0 : i32
    %sign3A_333 = arith.cmpi sgt, %get3A_329, %sign3A_332 : i32
    %sign3A_334 = arith.extui %sign3A_333 : i1 to i32
    %sign3A_335 = arith.constant 0 : i32
    %sign3A_336 = arith.cmpi slt, %get3A_329, %sign3A_335 : i32
    %sign3A_337 = arith.extui %sign3A_336 : i1 to i32
    %sign3A_338 = arith.subi %sign3A_334, %sign3A_337 : i32
    %sign3A_339 = arith.constant 0 : i32
    %sign3A_340 = arith.cmpi sgt, %jit3A_330, %sign3A_339 : i32
    %sign3A_341 = arith.extui %sign3A_340 : i1 to i32
    %sign3A_342 = arith.constant 0 : i32
    %sign3A_343 = arith.cmpi slt, %jit3A_330, %sign3A_342 : i32
    %sign3A_344 = arith.extui %sign3A_343 : i1 to i32
    %sign3A_345 = arith.subi %sign3A_341, %sign3A_344 : i32
    %ne3A_346 = arith.cmpi ne, %sign3A_338, %sign3A_345 : i32
    %rem3A_347 = arith.remsi %get3A_329, %jit3A_330 : i32
    %ne3A_348 = arith.constant 0 : i32
    %ne3A_349 = arith.cmpi ne, %rem3A_347, %ne3A_348 : i32
    %and3A_350 = arith.andi %ne3A_346, %ne3A_349 : i1
    %sub3A_351 = arith.constant 1 : i32
    %sub3A_352 = arith.subi %div3A_331, %sub3A_351 : i32
    %select_n3A_353 = arith.select %and3A_350, %sub3A_352, %div3A_331 : i32
    %add3A_354 = arith.constant 1 : i32
    %add3A_355 = arith.addi %get3A_326, %add3A_354 : i32
    %get3A_356 = arith.constant 0 : index
    %get3A_357 = arith.index_cast %add3A_355 : i32 to index
    %get3A_358 = memref.load %arg17[%get3A_356, %get3A_357] : memref<1x5xi32, #tpu.memory_space<smem>>
    %add3A_359 = arith.constant 1024 : i32
    %add3A_360 = arith.addi %get3A_358, %add3A_359 : i32
    %sub3A_361 = arith.constant 1 : i32
    %sub3A_362 = arith.subi %add3A_360, %sub3A_361 : i32
    %jit3A_363 = arith.constant 1024 : i32
    %div3A_364 = arith.divsi %sub3A_362, %jit3A_363 : i32
    %sign3A_365 = arith.constant 0 : i32
    %sign3A_366 = arith.cmpi sgt, %sub3A_362, %sign3A_365 : i32
    %sign3A_367 = arith.extui %sign3A_366 : i1 to i32
    %sign3A_368 = arith.constant 0 : i32
    %sign3A_369 = arith.cmpi slt, %sub3A_362, %sign3A_368 : i32
    %sign3A_370 = arith.extui %sign3A_369 : i1 to i32
    %sign3A_371 = arith.subi %sign3A_367, %sign3A_370 : i32
    %sign3A_372 = arith.constant 0 : i32
    %sign3A_373 = arith.cmpi sgt, %jit3A_363, %sign3A_372 : i32
    %sign3A_374 = arith.extui %sign3A_373 : i1 to i32
    %sign3A_375 = arith.constant 0 : i32
    %sign3A_376 = arith.cmpi slt, %jit3A_363, %sign3A_375 : i32
    %sign3A_377 = arith.extui %sign3A_376 : i1 to i32
    %sign3A_378 = arith.subi %sign3A_374, %sign3A_377 : i32
    %ne3A_379 = arith.cmpi ne, %sign3A_371, %sign3A_378 : i32
    %rem3A_380 = arith.remsi %sub3A_362, %jit3A_363 : i32
    %ne3A_381 = arith.constant 0 : i32
    %ne3A_382 = arith.cmpi ne, %rem3A_380, %ne3A_381 : i32
    %and3A_383 = arith.andi %ne3A_379, %ne3A_382 : i1
    %sub3A_384 = arith.constant 1 : i32
    %sub3A_385 = arith.subi %div3A_364, %sub3A_384 : i32
    %select_n3A_386 = arith.select %and3A_383, %sub3A_385, %div3A_364 : i32
    %while3A_387 = arith.subi %select_n3A_386, %select_n3A_353 : i32
    %while3A_388 = arith.addi %select_n3A_353, %while3A_387 : i32
    %while3A_389 = arith.constant 1 : i32
    %while3A_390 = arith.divsi %while3A_387, %while3A_389 : i32
    %while3A_391 = arith.muli %while3A_390, %while3A_389 : i32
    %while3A_392 = arith.addi %select_n3A_353, %while3A_391 : i32
    %while3A_393 = arith.constant 1 : i32
    %while3A_394 = scf.for %while3A_1155 = %select_n3A_353 to %while3A_392 step %while3A_393 iter_args(%while3A_1156 = %broadcast_in_dim3A_320) -> (vector<512x33xf32>)  : i32 {
      %mul3A_1157 = arith.constant 1024 : i32
      %mul3A_1158 = arith.muli %while3A_1155, %mul3A_1157 : i32
      %get3A_1159 = arith.index_cast %mul3A_1158 : i32 to index
      %get3A_1160 = arith.constant 0 : index
      %get3A_1161 = vector.load %arg14[%get3A_1159, %get3A_1160] : memref<4096x40xbf16, #tpu.memory_space<vmem>>, vector<1024x40xbf16>
      %get3A_1162 = arith.index_cast %mul3A_1158 : i32 to index
      %get3A_1163 = arith.constant 0 : index
      %get3A_1164 = vector.load %arg15[%get3A_1162, %get3A_1163] : memref<4096x33xbf16, #tpu.memory_space<vmem>>, vector<1024x33xbf16>
      %dot_general3A_1165 = arith.constant dense<0.000000e+00> : vector<512x1024xf32>
      %dot_general3A_1166 = tpu.matmul %get3A_318, %get3A_1161, %dot_general3A_1165 {dimension_numbers = #tpu.dot_dimension_numbers<[1], [1], [0], [0], [0, 0, 1, 0], [], []>, transpose_lhs_hint = false} : vector<512x40xbf16>, vector<1024x40xbf16>, vector<512x1024xf32> -> vector<512x1024xf32>
      %exp3A = math.exp %dot_general3A_1166 : vector<512x1024xf32>
      %convert_element_type3A_1167 = arith.truncf %exp3A : vector<512x1024xf32> to vector<512x1024xbf16>
      %dot_general3A_1168 = arith.constant dense<0.000000e+00> : vector<512x33xf32>
      %dot_general3A_1169 = tpu.matmul %convert_element_type3A_1167, %get3A_1164, %dot_general3A_1168 {dimension_numbers = #tpu.dot_dimension_numbers<[1], [0], [0], [1], [0, 0, 1, 1], [], []>, transpose_lhs_hint = false} : vector<512x1024xbf16>, vector<1024x33xbf16>, vector<512x33xf32> -> vector<512x33xf32>
      %add3A_1170 = arith.addf %while3A_1156, %dot_general3A_1169 : vector<512x33xf32>
      scf.yield %add3A_1170 : vector<512x33xf32>
    }
    %while3A_395 = arith.constant 1 : i32
    %while3A_396 = scf.for %while3A_1155 = %while3A_392 to %while3A_388 step %while3A_395 iter_args(%while3A_1156 = %while3A_394) -> (vector<512x33xf32>)  : i32 {
      %mul3A_1157 = arith.constant 1024 : i32
      %mul3A_1158 = arith.muli %while3A_1155, %mul3A_1157 : i32
      %get3A_1159 = arith.index_cast %mul3A_1158 : i32 to index
      %get3A_1160 = arith.constant 0 : index
      %get3A_1161 = vector.load %arg14[%get3A_1159, %get3A_1160] : memref<4096x40xbf16, #tpu.memory_space<vmem>>, vector<1024x40xbf16>
      %get3A_1162 = arith.index_cast %mul3A_1158 : i32 to index
      %get3A_1163 = arith.constant 0 : index
      %get3A_1164 = vector.load %arg15[%get3A_1162, %get3A_1163] : memref<4096x33xbf16, #tpu.memory_space<vmem>>, vector<1024x33xbf16>
      %dot_general3A_1165 = arith.constant dense<0.000000e+00> : vector<512x1024xf32>
      %dot_general3A_1166 = tpu.matmul %get3A_318, %get3A_1161, %dot_general3A_1165 {dimension_numbers = #tpu.dot_dimension_numbers<[1], [1], [0], [0], [0, 0, 1, 0], [], []>, transpose_lhs_hint = false} : vector<512x40xbf16>, vector<1024x40xbf16>, vector<512x1024xf32> -> vector<512x1024xf32>
      %exp3A = math.exp %dot_general3A_1166 : vector<512x1024xf32>
      %convert_element_type3A_1167 = arith.truncf %exp3A : vector<512x1024xf32> to vector<512x1024xbf16>
      %dot_general3A_1168 = arith.constant dense<0.000000e+00> : vector<512x33xf32>
      %dot_general3A_1169 = tpu.matmul %convert_element_type3A_1167, %get3A_1164, %dot_general3A_1168 {dimension_numbers = #tpu.dot_dimension_numbers<[1], [0], [0], [1], [0, 0, 1, 1], [], []>, transpose_lhs_hint = false} : vector<512x1024xbf16>, vector<1024x33xbf16>, vector<512x33xf32> -> vector<512x33xf32>
      %add3A_1170 = arith.addf %while3A_1156, %dot_general3A_1169 : vector<512x33xf32>
      scf.yield %add3A_1170 : vector<512x33xf32>
    }
    %slice3A_397 = vector.extract_strided_slice %while3A_396 {offsets = [0, 0], sizes = [512, 32], strides = [1, 1]} : vector<512x33xf32> to vector<512x32xf32>
    %slice3A_398 = vector.extract_strided_slice %while3A_396 {offsets = [0, 32], sizes = [512, 1], strides = [1, 1]} : vector<512x33xf32> to vector<512x1xf32>
    %div3A_399 = vector.broadcast %slice3A_398 : vector<512x1xf32> to vector<512x32xf32>
    %div3A_400 = arith.divf %slice3A_397, %div3A_399 : vector<512x32xf32>
    %dot_general3A_401 = arith.constant dense<0.000000e+00> : vector<512x32xf32>
    %dot_general3A_402 = tpu.matmul %div3A_400, %get3A_221, %dot_general3A_401 {dimension_numbers = #tpu.dot_dimension_numbers<[1], [0], [0], [1], [0, 0, 1, 1], [], []>, transpose_lhs_hint = false} : vector<512x32xf32>, vector<32x32xf32>, vector<512x32xf32> -> vector<512x32xf32>
    %swap3A_403 = arith.constant 512 : index
    %swap3A_404 = arith.constant 0 : index
    %swap3A_405 = vector.load %arg16[%swap3A_403, %swap3A_404] : memref<4096x32xf32, #tpu.memory_space<vmem>>, vector<512x32xf32>
    tpu.vector_store %arg16[%swap3A_403, %swap3A_404], %dot_general3A_402 {strides = array<i32>} : memref<4096x32xf32, #tpu.memory_space<vmem>>, vector<512x32xf32>,
    %reduce_sum3A_406 = arith.constant dense<0.000000e+00> : vector<32xf32>
    %reduce_sum3A_407 = vector.multi_reduction <add>, %dot_general3A_402, %reduce_sum3A_406 [0] : vector<512x32xf32> to vector<32xf32>
    %broadcast_in_dim3A_408 = vector.shape_cast %reduce_sum3A_407 : vector<32xf32> to vector<1x32xf32>
    %add3A_409 = arith.addf %add3A_311, %broadcast_in_dim3A_408 : vector<1x32xf32>
    %mul3A_410 = arith.mulf %dot_general3A_402, %dot_general3A_402 : vector<512x32xf32>
    %reduce_sum3A_411 = arith.constant dense<0.000000e+00> : vector<32xf32>
    %reduce_sum3A_412 = vector.multi_reduction <add>, %mul3A_410, %reduce_sum3A_411 [0] : vector<512x32xf32> to vector<32xf32>
    %broadcast_in_dim3A_413 = vector.shape_cast %reduce_sum3A_412 : vector<32xf32> to vector<1x32xf32>
    %add3A_414 = arith.addf %add3A_315, %broadcast_in_dim3A_413 : vector<1x32xf32>
    %get3A_415 = arith.constant 1024 : index
    %get3A_416 = arith.constant 0 : index
    %get3A_417 = vector.load %arg13[%get3A_415, %get3A_416] : memref<4096x40xbf16, #tpu.memory_space<vmem>>, vector<512x40xbf16>
    %broadcast_in_dim3A_418 = arith.constant 0.000000e+00 : f32
    %broadcast_in_dim3A_419 = vector.broadcast %broadcast_in_dim3A_418 : f32 to vector<512x33xf32>
    %get3A_420 = arith.constant 0 : index
    %get3A_421 = arith.constant 1024 : index
    %get3A_422 = memref.load %arg0[%get3A_420, %get3A_421] : memref<1x4096xi32, #tpu.memory_space<smem>>
    %get3A_423 = arith.constant 0 : index
    %get3A_424 = arith.constant 1535 : index
    %get3A_425 = memref.load %arg0[%get3A_423, %get3A_424] : memref<1x4096xi32, #tpu.memory_space<smem>>
    %get3A_426 = arith.constant 0 : index
    %get3A_427 = arith.index_cast %get3A_422 : i32 to index
    %get3A_428 = memref.load %arg17[%get3A_426, %get3A_427] : memref<1x5xi32, #tpu.memory_space<smem>>
    %jit3A_429 = arith.constant 1024 : i32
    %div3A_430 = arith.divsi %get3A_428, %jit3A_429 : i32
    %sign3A_431 = arith.constant 0 : i32
    %sign3A_432 = arith.cmpi sgt, %get3A_428, %sign3A_431 : i32
    %sign3A_433 = arith.extui %sign3A_432 : i1 to i32
    %sign3A_434 = arith.constant 0 : i32
    %sign3A_435 = arith.cmpi slt, %get3A_428, %sign3A_434 : i32
    %sign3A_436 = arith.extui %sign3A_435 : i1 to i32
    %sign3A_437 = arith.subi %sign3A_433, %sign3A_436 : i32
    %sign3A_438 = arith.constant 0 : i32
    %sign3A_439 = arith.cmpi sgt, %jit3A_429, %sign3A_438 : i32
    %sign3A_440 = arith.extui %sign3A_439 : i1 to i32
    %sign3A_441 = arith.constant 0 : i32
    %sign3A_442 = arith.cmpi slt, %jit3A_429, %sign3A_441 : i32
    %sign3A_443 = arith.extui %sign3A_442 : i1 to i32
    %sign3A_444 = arith.subi %sign3A_440, %sign3A_443 : i32
    %ne3A_445 = arith.cmpi ne, %sign3A_437, %sign3A_444 : i32
    %rem3A_446 = arith.remsi %get3A_428, %jit3A_429 : i32
    %ne3A_447 = arith.constant 0 : i32
    %ne3A_448 = arith.cmpi ne, %rem3A_446, %ne3A_447 : i32
    %and3A_449 = arith.andi %ne3A_445, %ne3A_448 : i1
    %sub3A_450 = arith.constant 1 : i32
    %sub3A_451 = arith.subi %div3A_430, %sub3A_450 : i32
    %select_n3A_452 = arith.select %and3A_449, %sub3A_451, %div3A_430 : i32
    %add3A_453 = arith.constant 1 : i32
    %add3A_454 = arith.addi %get3A_425, %add3A_453 : i32
    %get3A_455 = arith.constant 0 : index
    %get3A_456 = arith.index_cast %add3A_454 : i32 to index
    %get3A_457 = memref.load %arg17[%get3A_455, %get3A_456] : memref<1x5xi32, #tpu.memory_space<smem>>
    %add3A_458 = arith.constant 1024 : i32
    %add3A_459 = arith.addi %get3A_457, %add3A_458 : i32
    %sub3A_460 = arith.constant 1 : i32
    %sub3A_461 = arith.subi %add3A_459, %sub3A_460 : i32
    %jit3A_462 = arith.constant 1024 : i32
    %div3A_463 = arith.divsi %sub3A_461, %jit3A_462 : i32
    %sign3A_464 = arith.constant 0 : i32
    %sign3A_465 = arith.cmpi sgt, %sub3A_461, %sign3A_464 : i32
    %sign3A_466 = arith.extui %sign3A_465 : i1 to i32
    %sign3A_467 = arith.constant 0 : i32
    %sign3A_468 = arith.cmpi slt, %sub3A_461, %sign3A_467 : i32
    %sign3A_469 = arith.extui %sign3A_468 : i1 to i32
    %sign3A_470 = arith.subi %sign3A_466, %sign3A_469 : i32
    %sign3A_471 = arith.constant 0 : i32
    %sign3A_472 = arith.cmpi sgt, %jit3A_462, %sign3A_471 : i32
    %sign3A_473 = arith.extui %sign3A_472 : i1 to i32
    %sign3A_474 = arith.constant 0 : i32
    %sign3A_475 = arith.cmpi slt, %jit3A_462, %sign3A_474 : i32
    %sign3A_476 = arith.extui %sign3A_475 : i1 to i32
    %sign3A_477 = arith.subi %sign3A_473, %sign3A_476 : i32
    %ne3A_478 = arith.cmpi ne, %sign3A_470, %sign3A_477 : i32
    %rem3A_479 = arith.remsi %sub3A_461, %jit3A_462 : i32
    %ne3A_480 = arith.constant 0 : i32
    %ne3A_481 = arith.cmpi ne, %rem3A_479, %ne3A_480 : i32
    %and3A_482 = arith.andi %ne3A_478, %ne3A_481 : i1
    %sub3A_483 = arith.constant 1 : i32
    %sub3A_484 = arith.subi %div3A_463, %sub3A_483 : i32
    %select_n3A_485 = arith.select %and3A_482, %sub3A_484, %div3A_463 : i32
    %while3A_486 = arith.subi %select_n3A_485, %select_n3A_452 : i32
    %while3A_487 = arith.addi %select_n3A_452, %while3A_486 : i32
    %while3A_488 = arith.constant 1 : i32
    %while3A_489 = arith.divsi %while3A_486, %while3A_488 : i32
    %while3A_490 = arith.muli %while3A_489, %while3A_488 : i32
    %while3A_491 = arith.addi %select_n3A_452, %while3A_490 : i32
    %while3A_492 = arith.constant 1 : i32
    %while3A_493 = scf.for %while3A_1155 = %select_n3A_452 to %while3A_491 step %while3A_492 iter_args(%while3A_1156 = %broadcast_in_dim3A_419) -> (vector<512x33xf32>)  : i32 {
      %mul3A_1157 = arith.constant 1024 : i32
      %mul3A_1158 = arith.muli %while3A_1155, %mul3A_1157 : i32
      %get3A_1159 = arith.index_cast %mul3A_1158 : i32 to index
      %get3A_1160 = arith.constant 0 : index
      %get3A_1161 = vector.load %arg14[%get3A_1159, %get3A_1160] : memref<4096x40xbf16, #tpu.memory_space<vmem>>, vector<1024x40xbf16>
      %get3A_1162 = arith.index_cast %mul3A_1158 : i32 to index
      %get3A_1163 = arith.constant 0 : index
      %get3A_1164 = vector.load %arg15[%get3A_1162, %get3A_1163] : memref<4096x33xbf16, #tpu.memory_space<vmem>>, vector<1024x33xbf16>
      %dot_general3A_1165 = arith.constant dense<0.000000e+00> : vector<512x1024xf32>
      %dot_general3A_1166 = tpu.matmul %get3A_417, %get3A_1161, %dot_general3A_1165 {dimension_numbers = #tpu.dot_dimension_numbers<[1], [1], [0], [0], [0, 0, 1, 0], [], []>, transpose_lhs_hint = false} : vector<512x40xbf16>, vector<1024x40xbf16>, vector<512x1024xf32> -> vector<512x1024xf32>
      %exp3A = math.exp %dot_general3A_1166 : vector<512x1024xf32>
      %convert_element_type3A_1167 = arith.truncf %exp3A : vector<512x1024xf32> to vector<512x1024xbf16>
      %dot_general3A_1168 = arith.constant dense<0.000000e+00> : vector<512x33xf32>
      %dot_general3A_1169 = tpu.matmul %convert_element_type3A_1167, %get3A_1164, %dot_general3A_1168 {dimension_numbers = #tpu.dot_dimension_numbers<[1], [0], [0], [1], [0, 0, 1, 1], [], []>, transpose_lhs_hint = false} : vector<512x1024xbf16>, vector<1024x33xbf16>, vector<512x33xf32> -> vector<512x33xf32>
      %add3A_1170 = arith.addf %while3A_1156, %dot_general3A_1169 : vector<512x33xf32>
      scf.yield %add3A_1170 : vector<512x33xf32>
    }
    %while3A_494 = arith.constant 1 : i32
    %while3A_495 = scf.for %while3A_1155 = %while3A_491 to %while3A_487 step %while3A_494 iter_args(%while3A_1156 = %while3A_493) -> (vector<512x33xf32>)  : i32 {
      %mul3A_1157 = arith.constant 1024 : i32
      %mul3A_1158 = arith.muli %while3A_1155, %mul3A_1157 : i32
      %get3A_1159 = arith.index_cast %mul3A_1158 : i32 to index
      %get3A_1160 = arith.constant 0 : index
      %get3A_1161 = vector.load %arg14[%get3A_1159, %get3A_1160] : memref<4096x40xbf16, #tpu.memory_space<vmem>>, vector<1024x40xbf16>
      %get3A_1162 = arith.index_cast %mul3A_1158 : i32 to index
      %get3A_1163 = arith.constant 0 : index
      %get3A_1164 = vector.load %arg15[%get3A_1162, %get3A_1163] : memref<4096x33xbf16, #tpu.memory_space<vmem>>, vector<1024x33xbf16>
      %dot_general3A_1165 = arith.constant dense<0.000000e+00> : vector<512x1024xf32>
      %dot_general3A_1166 = tpu.matmul %get3A_417, %get3A_1161, %dot_general3A_1165 {dimension_numbers = #tpu.dot_dimension_numbers<[1], [1], [0], [0], [0, 0, 1, 0], [], []>, transpose_lhs_hint = false} : vector<512x40xbf16>, vector<1024x40xbf16>, vector<512x1024xf32> -> vector<512x1024xf32>
      %exp3A = math.exp %dot_general3A_1166 : vector<512x1024xf32>
      %convert_element_type3A_1167 = arith.truncf %exp3A : vector<512x1024xf32> to vector<512x1024xbf16>
      %dot_general3A_1168 = arith.constant dense<0.000000e+00> : vector<512x33xf32>
      %dot_general3A_1169 = tpu.matmul %convert_element_type3A_1167, %get3A_1164, %dot_general3A_1168 {dimension_numbers = #tpu.dot_dimension_numbers<[1], [0], [0], [1], [0, 0, 1, 1], [], []>, transpose_lhs_hint = false} : vector<512x1024xbf16>, vector<1024x33xbf16>, vector<512x33xf32> -> vector<512x33xf32>
      %add3A_1170 = arith.addf %while3A_1156, %dot_general3A_1169 : vector<512x33xf32>
      scf.yield %add3A_1170 : vector<512x33xf32>
    }
    %slice3A_496 = vector.extract_strided_slice %while3A_495 {offsets = [0, 0], sizes = [512, 32], strides = [1, 1]} : vector<512x33xf32> to vector<512x32xf32>
    %slice3A_497 = vector.extract_strided_slice %while3A_495 {offsets = [0, 32], sizes = [512, 1], strides = [1, 1]} : vector<512x33xf32> to vector<512x1xf32>
    %div3A_498 = vector.broadcast %slice3A_497 : vector<512x1xf32> to vector<512x32xf32>
    %div3A_499 = arith.divf %slice3A_496, %div3A_498 : vector<512x32xf32>
    %dot_general3A_500 = arith.constant dense<0.000000e+00> : vector<512x32xf32>
    %dot_general3A_501 = tpu.matmul %div3A_499, %get3A_221, %dot_general3A_500 {dimension_numbers = #tpu.dot_dimension_numbers<[1], [0], [0], [1], [0, 0, 1, 1], [], []>, transpose_lhs_hint = false} : vector<512x32xf32>, vector<32x32xf32>, vector<512x32xf32> -> vector<512x32xf32>
    %swap3A_502 = arith.constant 1024 : index
    %swap3A_503 = arith.constant 0 : index
    %swap3A_504 = vector.load %arg16[%swap3A_502, %swap3A_503] : memref<4096x32xf32, #tpu.memory_space<vmem>>, vector<512x32xf32>
    tpu.vector_store %arg16[%swap3A_502, %swap3A_503], %dot_general3A_501 {strides = array<i32>} : memref<4096x32xf32, #tpu.memory_space<vmem>>, vector<512x32xf32>,
    %reduce_sum3A_505 = arith.constant dense<0.000000e+00> : vector<32xf32>
    %reduce_sum3A_506 = vector.multi_reduction <add>, %dot_general3A_501, %reduce_sum3A_505 [0] : vector<512x32xf32> to vector<32xf32>
    %broadcast_in_dim3A_507 = vector.shape_cast %reduce_sum3A_506 : vector<32xf32> to vector<1x32xf32>
    %add3A_508 = arith.addf %add3A_409, %broadcast_in_dim3A_507 : vector<1x32xf32>
    %mul3A_509 = arith.mulf %dot_general3A_501, %dot_general3A_501 : vector<512x32xf32>
    %reduce_sum3A_510 = arith.constant dense<0.000000e+00> : vector<32xf32>
    %reduce_sum3A_511 = vector.multi_reduction <add>, %mul3A_509, %reduce_sum3A_510 [0] : vector<512x32xf32> to vector<32xf32>
    %broadcast_in_dim3A_512 = vector.shape_cast %reduce_sum3A_511 : vector<32xf32> to vector<1x32xf32>
    %add3A_513 = arith.addf %add3A_414, %broadcast_in_dim3A_512 : vector<1x32xf32>
    %get3A_514 = arith.constant 1536 : index
    %get3A_515 = arith.constant 0 : index
    %get3A_516 = vector.load %arg13[%get3A_514, %get3A_515] : memref<4096x40xbf16, #tpu.memory_space<vmem>>, vector<512x40xbf16>
    %broadcast_in_dim3A_517 = arith.constant 0.000000e+00 : f32
    %broadcast_in_dim3A_518 = vector.broadcast %broadcast_in_dim3A_517 : f32 to vector<512x33xf32>
    %get3A_519 = arith.constant 0 : index
    %get3A_520 = arith.constant 1536 : index
    %get3A_521 = memref.load %arg0[%get3A_519, %get3A_520] : memref<1x4096xi32, #tpu.memory_space<smem>>
    %get3A_522 = arith.constant 0 : index
    %get3A_523 = arith.constant 2047 : index
    %get3A_524 = memref.load %arg0[%get3A_522, %get3A_523] : memref<1x4096xi32, #tpu.memory_space<smem>>
    %get3A_525 = arith.constant 0 : index
    %get3A_526 = arith.index_cast %get3A_521 : i32 to index
    %get3A_527 = memref.load %arg17[%get3A_525, %get3A_526] : memref<1x5xi32, #tpu.memory_space<smem>>
    %jit3A_528 = arith.constant 1024 : i32
    %div3A_529 = arith.divsi %get3A_527, %jit3A_528 : i32
    %sign3A_530 = arith.constant 0 : i32
    %sign3A_531 = arith.cmpi sgt, %get3A_527, %sign3A_530 : i32
    %sign3A_532 = arith.extui %sign3A_531 : i1 to i32
    %sign3A_533 = arith.constant 0 : i32
    %sign3A_534 = arith.cmpi slt, %get3A_527, %sign3A_533 : i32
    %sign3A_535 = arith.extui %sign3A_534 : i1 to i32
    %sign3A_536 = arith.subi %sign3A_532, %sign3A_535 : i32
    %sign3A_537 = arith.constant 0 : i32
    %sign3A_538 = arith.cmpi sgt, %jit3A_528, %sign3A_537 : i32
    %sign3A_539 = arith.extui %sign3A_538 : i1 to i32
    %sign3A_540 = arith.constant 0 : i32
    %sign3A_541 = arith.cmpi slt, %jit3A_528, %sign3A_540 : i32
    %sign3A_542 = arith.extui %sign3A_541 : i1 to i32
    %sign3A_543 = arith.subi %sign3A_539, %sign3A_542 : i32
    %ne3A_544 = arith.cmpi ne, %sign3A_536, %sign3A_543 : i32
    %rem3A_545 = arith.remsi %get3A_527, %jit3A_528 : i32
    %ne3A_546 = arith.constant 0 : i32
    %ne3A_547 = arith.cmpi ne, %rem3A_545, %ne3A_546 : i32
    %and3A_548 = arith.andi %ne3A_544, %ne3A_547 : i1
    %sub3A_549 = arith.constant 1 : i32
    %sub3A_550 = arith.subi %div3A_529, %sub3A_549 : i32
    %select_n3A_551 = arith.select %and3A_548, %sub3A_550, %div3A_529 : i32
    %add3A_552 = arith.constant 1 : i32
    %add3A_553 = arith.addi %get3A_524, %add3A_552 : i32
    %get3A_554 = arith.constant 0 : index
    %get3A_555 = arith.index_cast %add3A_553 : i32 to index
    %get3A_556 = memref.load %arg17[%get3A_554, %get3A_555] : memref<1x5xi32, #tpu.memory_space<smem>>
    %add3A_557 = arith.constant 1024 : i32
    %add3A_558 = arith.addi %get3A_556, %add3A_557 : i32
    %sub3A_559 = arith.constant 1 : i32
    %sub3A_560 = arith.subi %add3A_558, %sub3A_559 : i32
    %jit3A_561 = arith.constant 1024 : i32
    %div3A_562 = arith.divsi %sub3A_560, %jit3A_561 : i32
    %sign3A_563 = arith.constant 0 : i32
    %sign3A_564 = arith.cmpi sgt, %sub3A_560, %sign3A_563 : i32
    %sign3A_565 = arith.extui %sign3A_564 : i1 to i32
    %sign3A_566 = arith.constant 0 : i32
    %sign3A_567 = arith.cmpi slt, %sub3A_560, %sign3A_566 : i32
    %sign3A_568 = arith.extui %sign3A_567 : i1 to i32
    %sign3A_569 = arith.subi %sign3A_565, %sign3A_568 : i32
    %sign3A_570 = arith.constant 0 : i32
    %sign3A_571 = arith.cmpi sgt, %jit3A_561, %sign3A_570 : i32
    %sign3A_572 = arith.extui %sign3A_571 : i1 to i32
    %sign3A_573 = arith.constant 0 : i32
    %sign3A_574 = arith.cmpi slt, %jit3A_561, %sign3A_573 : i32
    %sign3A_575 = arith.extui %sign3A_574 : i1 to i32
    %sign3A_576 = arith.subi %sign3A_572, %sign3A_575 : i32
    %ne3A_577 = arith.cmpi ne, %sign3A_569, %sign3A_576 : i32
    %rem3A_578 = arith.remsi %sub3A_560, %jit3A_561 : i32
    %ne3A_579 = arith.constant 0 : i32
    %ne3A_580 = arith.cmpi ne, %rem3A_578, %ne3A_579 : i32
    %and3A_581 = arith.andi %ne3A_577, %ne3A_580 : i1
    %sub3A_582 = arith.constant 1 : i32
    %sub3A_583 = arith.subi %div3A_562, %sub3A_582 : i32
    %select_n3A_584 = arith.select %and3A_581, %sub3A_583, %div3A_562 : i32
    %while3A_585 = arith.subi %select_n3A_584, %select_n3A_551 : i32
    %while3A_586 = arith.addi %select_n3A_551, %while3A_585 : i32
    %while3A_587 = arith.constant 1 : i32
    %while3A_588 = arith.divsi %while3A_585, %while3A_587 : i32
    %while3A_589 = arith.muli %while3A_588, %while3A_587 : i32
    %while3A_590 = arith.addi %select_n3A_551, %while3A_589 : i32
    %while3A_591 = arith.constant 1 : i32
    %while3A_592 = scf.for %while3A_1155 = %select_n3A_551 to %while3A_590 step %while3A_591 iter_args(%while3A_1156 = %broadcast_in_dim3A_518) -> (vector<512x33xf32>)  : i32 {
      %mul3A_1157 = arith.constant 1024 : i32
      %mul3A_1158 = arith.muli %while3A_1155, %mul3A_1157 : i32
      %get3A_1159 = arith.index_cast %mul3A_1158 : i32 to index
      %get3A_1160 = arith.constant 0 : index
      %get3A_1161 = vector.load %arg14[%get3A_1159, %get3A_1160] : memref<4096x40xbf16, #tpu.memory_space<vmem>>, vector<1024x40xbf16>
      %get3A_1162 = arith.index_cast %mul3A_1158 : i32 to index
      %get3A_1163 = arith.constant 0 : index
      %get3A_1164 = vector.load %arg15[%get3A_1162, %get3A_1163] : memref<4096x33xbf16, #tpu.memory_space<vmem>>, vector<1024x33xbf16>
      %dot_general3A_1165 = arith.constant dense<0.000000e+00> : vector<512x1024xf32>
      %dot_general3A_1166 = tpu.matmul %get3A_516, %get3A_1161, %dot_general3A_1165 {dimension_numbers = #tpu.dot_dimension_numbers<[1], [1], [0], [0], [0, 0, 1, 0], [], []>, transpose_lhs_hint = false} : vector<512x40xbf16>, vector<1024x40xbf16>, vector<512x1024xf32> -> vector<512x1024xf32>
      %exp3A = math.exp %dot_general3A_1166 : vector<512x1024xf32>
      %convert_element_type3A_1167 = arith.truncf %exp3A : vector<512x1024xf32> to vector<512x1024xbf16>
      %dot_general3A_1168 = arith.constant dense<0.000000e+00> : vector<512x33xf32>
      %dot_general3A_1169 = tpu.matmul %convert_element_type3A_1167, %get3A_1164, %dot_general3A_1168 {dimension_numbers = #tpu.dot_dimension_numbers<[1], [0], [0], [1], [0, 0, 1, 1], [], []>, transpose_lhs_hint = false} : vector<512x1024xbf16>, vector<1024x33xbf16>, vector<512x33xf32> -> vector<512x33xf32>
      %add3A_1170 = arith.addf %while3A_1156, %dot_general3A_1169 : vector<512x33xf32>
      scf.yield %add3A_1170 : vector<512x33xf32>
    }
    %while3A_593 = arith.constant 1 : i32
    %while3A_594 = scf.for %while3A_1155 = %while3A_590 to %while3A_586 step %while3A_593 iter_args(%while3A_1156 = %while3A_592) -> (vector<512x33xf32>)  : i32 {
      %mul3A_1157 = arith.constant 1024 : i32
      %mul3A_1158 = arith.muli %while3A_1155, %mul3A_1157 : i32
      %get3A_1159 = arith.index_cast %mul3A_1158 : i32 to index
      %get3A_1160 = arith.constant 0 : index
      %get3A_1161 = vector.load %arg14[%get3A_1159, %get3A_1160] : memref<4096x40xbf16, #tpu.memory_space<vmem>>, vector<1024x40xbf16>
      %get3A_1162 = arith.index_cast %mul3A_1158 : i32 to index
      %get3A_1163 = arith.constant 0 : index
      %get3A_1164 = vector.load %arg15[%get3A_1162, %get3A_1163] : memref<4096x33xbf16, #tpu.memory_space<vmem>>, vector<1024x33xbf16>
      %dot_general3A_1165 = arith.constant dense<0.000000e+00> : vector<512x1024xf32>
      %dot_general3A_1166 = tpu.matmul %get3A_516, %get3A_1161, %dot_general3A_1165 {dimension_numbers = #tpu.dot_dimension_numbers<[1], [1], [0], [0], [0, 0, 1, 0], [], []>, transpose_lhs_hint = false} : vector<512x40xbf16>, vector<1024x40xbf16>, vector<512x1024xf32> -> vector<512x1024xf32>
      %exp3A = math.exp %dot_general3A_1166 : vector<512x1024xf32>
      %convert_element_type3A_1167 = arith.truncf %exp3A : vector<512x1024xf32> to vector<512x1024xbf16>
      %dot_general3A_1168 = arith.constant dense<0.000000e+00> : vector<512x33xf32>
      %dot_general3A_1169 = tpu.matmul %convert_element_type3A_1167, %get3A_1164, %dot_general3A_1168 {dimension_numbers = #tpu.dot_dimension_numbers<[1], [0], [0], [1], [0, 0, 1, 1], [], []>, transpose_lhs_hint = false} : vector<512x1024xbf16>, vector<1024x33xbf16>, vector<512x33xf32> -> vector<512x33xf32>
      %add3A_1170 = arith.addf %while3A_1156, %dot_general3A_1169 : vector<512x33xf32>
      scf.yield %add3A_1170 : vector<512x33xf32>
    }
    %slice3A_595 = vector.extract_strided_slice %while3A_594 {offsets = [0, 0], sizes = [512, 32], strides = [1, 1]} : vector<512x33xf32> to vector<512x32xf32>
    %slice3A_596 = vector.extract_strided_slice %while3A_594 {offsets = [0, 32], sizes = [512, 1], strides = [1, 1]} : vector<512x33xf32> to vector<512x1xf32>
    %div3A_597 = vector.broadcast %slice3A_596 : vector<512x1xf32> to vector<512x32xf32>
    %div3A_598 = arith.divf %slice3A_595, %div3A_597 : vector<512x32xf32>
    %dot_general3A_599 = arith.constant dense<0.000000e+00> : vector<512x32xf32>
    %dot_general3A_600 = tpu.matmul %div3A_598, %get3A_221, %dot_general3A_599 {dimension_numbers = #tpu.dot_dimension_numbers<[1], [0], [0], [1], [0, 0, 1, 1], [], []>, transpose_lhs_hint = false} : vector<512x32xf32>, vector<32x32xf32>, vector<512x32xf32> -> vector<512x32xf32>
    %swap3A_601 = arith.constant 1536 : index
    %swap3A_602 = arith.constant 0 : index
    %swap3A_603 = vector.load %arg16[%swap3A_601, %swap3A_602] : memref<4096x32xf32, #tpu.memory_space<vmem>>, vector<512x32xf32>
    tpu.vector_store %arg16[%swap3A_601, %swap3A_602], %dot_general3A_600 {strides = array<i32>} : memref<4096x32xf32, #tpu.memory_space<vmem>>, vector<512x32xf32>,
    %reduce_sum3A_604 = arith.constant dense<0.000000e+00> : vector<32xf32>
    %reduce_sum3A_605 = vector.multi_reduction <add>, %dot_general3A_600, %reduce_sum3A_604 [0] : vector<512x32xf32> to vector<32xf32>
    %broadcast_in_dim3A_606 = vector.shape_cast %reduce_sum3A_605 : vector<32xf32> to vector<1x32xf32>
    %add3A_607 = arith.addf %add3A_508, %broadcast_in_dim3A_606 : vector<1x32xf32>
    %mul3A_608 = arith.mulf %dot_general3A_600, %dot_general3A_600 : vector<512x32xf32>
    %reduce_sum3A_609 = arith.constant dense<0.000000e+00> : vector<32xf32>
    %reduce_sum3A_610 = vector.multi_reduction <add>, %mul3A_608, %reduce_sum3A_609 [0] : vector<512x32xf32> to vector<32xf32>
    %broadcast_in_dim3A_611 = vector.shape_cast %reduce_sum3A_610 : vector<32xf32> to vector<1x32xf32>
    %add3A_612 = arith.addf %add3A_513, %broadcast_in_dim3A_611 : vector<1x32xf32>
    %get3A_613 = arith.constant 2048 : index
    %get3A_614 = arith.constant 0 : index
    %get3A_615 = vector.load %arg13[%get3A_613, %get3A_614] : memref<4096x40xbf16, #tpu.memory_space<vmem>>, vector<512x40xbf16>
    %broadcast_in_dim3A_616 = arith.constant 0.000000e+00 : f32
    %broadcast_in_dim3A_617 = vector.broadcast %broadcast_in_dim3A_616 : f32 to vector<512x33xf32>
    %get3A_618 = arith.constant 0 : index
    %get3A_619 = arith.constant 2048 : index
    %get3A_620 = memref.load %arg0[%get3A_618, %get3A_619] : memref<1x4096xi32, #tpu.memory_space<smem>>
    %get3A_621 = arith.constant 0 : index
    %get3A_622 = arith.constant 2559 : index
    %get3A_623 = memref.load %arg0[%get3A_621, %get3A_622] : memref<1x4096xi32, #tpu.memory_space<smem>>
    %get3A_624 = arith.constant 0 : index
    %get3A_625 = arith.index_cast %get3A_620 : i32 to index
    %get3A_626 = memref.load %arg17[%get3A_624, %get3A_625] : memref<1x5xi32, #tpu.memory_space<smem>>
    %jit3A_627 = arith.constant 1024 : i32
    %div3A_628 = arith.divsi %get3A_626, %jit3A_627 : i32
    %sign3A_629 = arith.constant 0 : i32
    %sign3A_630 = arith.cmpi sgt, %get3A_626, %sign3A_629 : i32
    %sign3A_631 = arith.extui %sign3A_630 : i1 to i32
    %sign3A_632 = arith.constant 0 : i32
    %sign3A_633 = arith.cmpi slt, %get3A_626, %sign3A_632 : i32
    %sign3A_634 = arith.extui %sign3A_633 : i1 to i32
    %sign3A_635 = arith.subi %sign3A_631, %sign3A_634 : i32
    %sign3A_636 = arith.constant 0 : i32
    %sign3A_637 = arith.cmpi sgt, %jit3A_627, %sign3A_636 : i32
    %sign3A_638 = arith.extui %sign3A_637 : i1 to i32
    %sign3A_639 = arith.constant 0 : i32
    %sign3A_640 = arith.cmpi slt, %jit3A_627, %sign3A_639 : i32
    %sign3A_641 = arith.extui %sign3A_640 : i1 to i32
    %sign3A_642 = arith.subi %sign3A_638, %sign3A_641 : i32
    %ne3A_643 = arith.cmpi ne, %sign3A_635, %sign3A_642 : i32
    %rem3A_644 = arith.remsi %get3A_626, %jit3A_627 : i32
    %ne3A_645 = arith.constant 0 : i32
    %ne3A_646 = arith.cmpi ne, %rem3A_644, %ne3A_645 : i32
    %and3A_647 = arith.andi %ne3A_643, %ne3A_646 : i1
    %sub3A_648 = arith.constant 1 : i32
    %sub3A_649 = arith.subi %div3A_628, %sub3A_648 : i32
    %select_n3A_650 = arith.select %and3A_647, %sub3A_649, %div3A_628 : i32
    %add3A_651 = arith.constant 1 : i32
    %add3A_652 = arith.addi %get3A_623, %add3A_651 : i32
    %get3A_653 = arith.constant 0 : index
    %get3A_654 = arith.index_cast %add3A_652 : i32 to index
    %get3A_655 = memref.load %arg17[%get3A_653, %get3A_654] : memref<1x5xi32, #tpu.memory_space<smem>>
    %add3A_656 = arith.constant 1024 : i32
    %add3A_657 = arith.addi %get3A_655, %add3A_656 : i32
    %sub3A_658 = arith.constant 1 : i32
    %sub3A_659 = arith.subi %add3A_657, %sub3A_658 : i32
    %jit3A_660 = arith.constant 1024 : i32
    %div3A_661 = arith.divsi %sub3A_659, %jit3A_660 : i32
    %sign3A_662 = arith.constant 0 : i32
    %sign3A_663 = arith.cmpi sgt, %sub3A_659, %sign3A_662 : i32
    %sign3A_664 = arith.extui %sign3A_663 : i1 to i32
    %sign3A_665 = arith.constant 0 : i32
    %sign3A_666 = arith.cmpi slt, %sub3A_659, %sign3A_665 : i32
    %sign3A_667 = arith.extui %sign3A_666 : i1 to i32
    %sign3A_668 = arith.subi %sign3A_664, %sign3A_667 : i32
    %sign3A_669 = arith.constant 0 : i32
    %sign3A_670 = arith.cmpi sgt, %jit3A_660, %sign3A_669 : i32
    %sign3A_671 = arith.extui %sign3A_670 : i1 to i32
    %sign3A_672 = arith.constant 0 : i32
    %sign3A_673 = arith.cmpi slt, %jit3A_660, %sign3A_672 : i32
    %sign3A_674 = arith.extui %sign3A_673 : i1 to i32
    %sign3A_675 = arith.subi %sign3A_671, %sign3A_674 : i32
    %ne3A_676 = arith.cmpi ne, %sign3A_668, %sign3A_675 : i32
    %rem3A_677 = arith.remsi %sub3A_659, %jit3A_660 : i32
    %ne3A_678 = arith.constant 0 : i32
    %ne3A_679 = arith.cmpi ne, %rem3A_677, %ne3A_678 : i32
    %and3A_680 = arith.andi %ne3A_676, %ne3A_679 : i1
    %sub3A_681 = arith.constant 1 : i32
    %sub3A_682 = arith.subi %div3A_661, %sub3A_681 : i32
    %select_n3A_683 = arith.select %and3A_680, %sub3A_682, %div3A_661 : i32
    %while3A_684 = arith.subi %select_n3A_683, %select_n3A_650 : i32
    %while3A_685 = arith.addi %select_n3A_650, %while3A_684 : i32
    %while3A_686 = arith.constant 1 : i32
    %while3A_687 = arith.divsi %while3A_684, %while3A_686 : i32
    %while3A_688 = arith.muli %while3A_687, %while3A_686 : i32
    %while3A_689 = arith.addi %select_n3A_650, %while3A_688 : i32
    %while3A_690 = arith.constant 1 : i32
    %while3A_691 = scf.for %while3A_1155 = %select_n3A_650 to %while3A_689 step %while3A_690 iter_args(%while3A_1156 = %broadcast_in_dim3A_617) -> (vector<512x33xf32>)  : i32 {
      %mul3A_1157 = arith.constant 1024 : i32
      %mul3A_1158 = arith.muli %while3A_1155, %mul3A_1157 : i32
      %get3A_1159 = arith.index_cast %mul3A_1158 : i32 to index
      %get3A_1160 = arith.constant 0 : index
      %get3A_1161 = vector.load %arg14[%get3A_1159, %get3A_1160] : memref<4096x40xbf16, #tpu.memory_space<vmem>>, vector<1024x40xbf16>
      %get3A_1162 = arith.index_cast %mul3A_1158 : i32 to index
      %get3A_1163 = arith.constant 0 : index
      %get3A_1164 = vector.load %arg15[%get3A_1162, %get3A_1163] : memref<4096x33xbf16, #tpu.memory_space<vmem>>, vector<1024x33xbf16>
      %dot_general3A_1165 = arith.constant dense<0.000000e+00> : vector<512x1024xf32>
      %dot_general3A_1166 = tpu.matmul %get3A_615, %get3A_1161, %dot_general3A_1165 {dimension_numbers = #tpu.dot_dimension_numbers<[1], [1], [0], [0], [0, 0, 1, 0], [], []>, transpose_lhs_hint = false} : vector<512x40xbf16>, vector<1024x40xbf16>, vector<512x1024xf32> -> vector<512x1024xf32>
      %exp3A = math.exp %dot_general3A_1166 : vector<512x1024xf32>
      %convert_element_type3A_1167 = arith.truncf %exp3A : vector<512x1024xf32> to vector<512x1024xbf16>
      %dot_general3A_1168 = arith.constant dense<0.000000e+00> : vector<512x33xf32>
      %dot_general3A_1169 = tpu.matmul %convert_element_type3A_1167, %get3A_1164, %dot_general3A_1168 {dimension_numbers = #tpu.dot_dimension_numbers<[1], [0], [0], [1], [0, 0, 1, 1], [], []>, transpose_lhs_hint = false} : vector<512x1024xbf16>, vector<1024x33xbf16>, vector<512x33xf32> -> vector<512x33xf32>
      %add3A_1170 = arith.addf %while3A_1156, %dot_general3A_1169 : vector<512x33xf32>
      scf.yield %add3A_1170 : vector<512x33xf32>
    }
    %while3A_692 = arith.constant 1 : i32
    %while3A_693 = scf.for %while3A_1155 = %while3A_689 to %while3A_685 step %while3A_692 iter_args(%while3A_1156 = %while3A_691) -> (vector<512x33xf32>)  : i32 {
      %mul3A_1157 = arith.constant 1024 : i32
      %mul3A_1158 = arith.muli %while3A_1155, %mul3A_1157 : i32
      %get3A_1159 = arith.index_cast %mul3A_1158 : i32 to index
      %get3A_1160 = arith.constant 0 : index
      %get3A_1161 = vector.load %arg14[%get3A_1159, %get3A_1160] : memref<4096x40xbf16, #tpu.memory_space<vmem>>, vector<1024x40xbf16>
      %get3A_1162 = arith.index_cast %mul3A_1158 : i32 to index
      %get3A_1163 = arith.constant 0 : index
      %get3A_1164 = vector.load %arg15[%get3A_1162, %get3A_1163] : memref<4096x33xbf16, #tpu.memory_space<vmem>>, vector<1024x33xbf16>
      %dot_general3A_1165 = arith.constant dense<0.000000e+00> : vector<512x1024xf32>
      %dot_general3A_1166 = tpu.matmul %get3A_615, %get3A_1161, %dot_general3A_1165 {dimension_numbers = #tpu.dot_dimension_numbers<[1], [1], [0], [0], [0, 0, 1, 0], [], []>, transpose_lhs_hint = false} : vector<512x40xbf16>, vector<1024x40xbf16>, vector<512x1024xf32> -> vector<512x1024xf32>
      %exp3A = math.exp %dot_general3A_1166 : vector<512x1024xf32>
      %convert_element_type3A_1167 = arith.truncf %exp3A : vector<512x1024xf32> to vector<512x1024xbf16>
      %dot_general3A_1168 = arith.constant dense<0.000000e+00> : vector<512x33xf32>
      %dot_general3A_1169 = tpu.matmul %convert_element_type3A_1167, %get3A_1164, %dot_general3A_1168 {dimension_numbers = #tpu.dot_dimension_numbers<[1], [0], [0], [1], [0, 0, 1, 1], [], []>, transpose_lhs_hint = false} : vector<512x1024xbf16>, vector<1024x33xbf16>, vector<512x33xf32> -> vector<512x33xf32>
      %add3A_1170 = arith.addf %while3A_1156, %dot_general3A_1169 : vector<512x33xf32>
      scf.yield %add3A_1170 : vector<512x33xf32>
    }
    %slice3A_694 = vector.extract_strided_slice %while3A_693 {offsets = [0, 0], sizes = [512, 32], strides = [1, 1]} : vector<512x33xf32> to vector<512x32xf32>
    %slice3A_695 = vector.extract_strided_slice %while3A_693 {offsets = [0, 32], sizes = [512, 1], strides = [1, 1]} : vector<512x33xf32> to vector<512x1xf32>
    %div3A_696 = vector.broadcast %slice3A_695 : vector<512x1xf32> to vector<512x32xf32>
    %div3A_697 = arith.divf %slice3A_694, %div3A_696 : vector<512x32xf32>
    %dot_general3A_698 = arith.constant dense<0.000000e+00> : vector<512x32xf32>
    %dot_general3A_699 = tpu.matmul %div3A_697, %get3A_221, %dot_general3A_698 {dimension_numbers = #tpu.dot_dimension_numbers<[1], [0], [0], [1], [0, 0, 1, 1], [], []>, transpose_lhs_hint = false} : vector<512x32xf32>, vector<32x32xf32>, vector<512x32xf32> -> vector<512x32xf32>
    %swap3A_700 = arith.constant 2048 : index
    %swap3A_701 = arith.constant 0 : index
    %swap3A_702 = vector.load %arg16[%swap3A_700, %swap3A_701] : memref<4096x32xf32, #tpu.memory_space<vmem>>, vector<512x32xf32>
    tpu.vector_store %arg16[%swap3A_700, %swap3A_701], %dot_general3A_699 {strides = array<i32>} : memref<4096x32xf32, #tpu.memory_space<vmem>>, vector<512x32xf32>,
    %reduce_sum3A_703 = arith.constant dense<0.000000e+00> : vector<32xf32>
    %reduce_sum3A_704 = vector.multi_reduction <add>, %dot_general3A_699, %reduce_sum3A_703 [0] : vector<512x32xf32> to vector<32xf32>
    %broadcast_in_dim3A_705 = vector.shape_cast %reduce_sum3A_704 : vector<32xf32> to vector<1x32xf32>
    %add3A_706 = arith.addf %add3A_607, %broadcast_in_dim3A_705 : vector<1x32xf32>
    %mul3A_707 = arith.mulf %dot_general3A_699, %dot_general3A_699 : vector<512x32xf32>
    %reduce_sum3A_708 = arith.constant dense<0.000000e+00> : vector<32xf32>
    %reduce_sum3A_709 = vector.multi_reduction <add>, %mul3A_707, %reduce_sum3A_708 [0] : vector<512x32xf32> to vector<32xf32>
    %broadcast_in_dim3A_710 = vector.shape_cast %reduce_sum3A_709 : vector<32xf32> to vector<1x32xf32>
    %add3A_711 = arith.addf %add3A_612, %broadcast_in_dim3A_710 : vector<1x32xf32>
    %get3A_712 = arith.constant 2560 : index
    %get3A_713 = arith.constant 0 : index
    %get3A_714 = vector.load %arg13[%get3A_712, %get3A_713] : memref<4096x40xbf16, #tpu.memory_space<vmem>>, vector<512x40xbf16>
    %broadcast_in_dim3A_715 = arith.constant 0.000000e+00 : f32
    %broadcast_in_dim3A_716 = vector.broadcast %broadcast_in_dim3A_715 : f32 to vector<512x33xf32>
    %get3A_717 = arith.constant 0 : index
    %get3A_718 = arith.constant 2560 : index
    %get3A_719 = memref.load %arg0[%get3A_717, %get3A_718] : memref<1x4096xi32, #tpu.memory_space<smem>>
    %get3A_720 = arith.constant 0 : index
    %get3A_721 = arith.constant 3071 : index
    %get3A_722 = memref.load %arg0[%get3A_720, %get3A_721] : memref<1x4096xi32, #tpu.memory_space<smem>>
    %get3A_723 = arith.constant 0 : index
    %get3A_724 = arith.index_cast %get3A_719 : i32 to index
    %get3A_725 = memref.load %arg17[%get3A_723, %get3A_724] : memref<1x5xi32, #tpu.memory_space<smem>>
    %jit3A_726 = arith.constant 1024 : i32
    %div3A_727 = arith.divsi %get3A_725, %jit3A_726 : i32
    %sign3A_728 = arith.constant 0 : i32
    %sign3A_729 = arith.cmpi sgt, %get3A_725, %sign3A_728 : i32
    %sign3A_730 = arith.extui %sign3A_729 : i1 to i32
    %sign3A_731 = arith.constant 0 : i32
    %sign3A_732 = arith.cmpi slt, %get3A_725, %sign3A_731 : i32
    %sign3A_733 = arith.extui %sign3A_732 : i1 to i32
    %sign3A_734 = arith.subi %sign3A_730, %sign3A_733 : i32
    %sign3A_735 = arith.constant 0 : i32
    %sign3A_736 = arith.cmpi sgt, %jit3A_726, %sign3A_735 : i32
    %sign3A_737 = arith.extui %sign3A_736 : i1 to i32
    %sign3A_738 = arith.constant 0 : i32
    %sign3A_739 = arith.cmpi slt, %jit3A_726, %sign3A_738 : i32
    %sign3A_740 = arith.extui %sign3A_739 : i1 to i32
    %sign3A_741 = arith.subi %sign3A_737, %sign3A_740 : i32
    %ne3A_742 = arith.cmpi ne, %sign3A_734, %sign3A_741 : i32
    %rem3A_743 = arith.remsi %get3A_725, %jit3A_726 : i32
    %ne3A_744 = arith.constant 0 : i32
    %ne3A_745 = arith.cmpi ne, %rem3A_743, %ne3A_744 : i32
    %and3A_746 = arith.andi %ne3A_742, %ne3A_745 : i1
    %sub3A_747 = arith.constant 1 : i32
    %sub3A_748 = arith.subi %div3A_727, %sub3A_747 : i32
    %select_n3A_749 = arith.select %and3A_746, %sub3A_748, %div3A_727 : i32
    %add3A_750 = arith.constant 1 : i32
    %add3A_751 = arith.addi %get3A_722, %add3A_750 : i32
    %get3A_752 = arith.constant 0 : index
    %get3A_753 = arith.index_cast %add3A_751 : i32 to index
    %get3A_754 = memref.load %arg17[%get3A_752, %get3A_753] : memref<1x5xi32, #tpu.memory_space<smem>>
    %add3A_755 = arith.constant 1024 : i32
    %add3A_756 = arith.addi %get3A_754, %add3A_755 : i32
    %sub3A_757 = arith.constant 1 : i32
    %sub3A_758 = arith.subi %add3A_756, %sub3A_757 : i32
    %jit3A_759 = arith.constant 1024 : i32
    %div3A_760 = arith.divsi %sub3A_758, %jit3A_759 : i32
    %sign3A_761 = arith.constant 0 : i32
    %sign3A_762 = arith.cmpi sgt, %sub3A_758, %sign3A_761 : i32
    %sign3A_763 = arith.extui %sign3A_762 : i1 to i32
    %sign3A_764 = arith.constant 0 : i32
    %sign3A_765 = arith.cmpi slt, %sub3A_758, %sign3A_764 : i32
    %sign3A_766 = arith.extui %sign3A_765 : i1 to i32
    %sign3A_767 = arith.subi %sign3A_763, %sign3A_766 : i32
    %sign3A_768 = arith.constant 0 : i32
    %sign3A_769 = arith.cmpi sgt, %jit3A_759, %sign3A_768 : i32
    %sign3A_770 = arith.extui %sign3A_769 : i1 to i32
    %sign3A_771 = arith.constant 0 : i32
    %sign3A_772 = arith.cmpi slt, %jit3A_759, %sign3A_771 : i32
    %sign3A_773 = arith.extui %sign3A_772 : i1 to i32
    %sign3A_774 = arith.subi %sign3A_770, %sign3A_773 : i32
    %ne3A_775 = arith.cmpi ne, %sign3A_767, %sign3A_774 : i32
    %rem3A_776 = arith.remsi %sub3A_758, %jit3A_759 : i32
    %ne3A_777 = arith.constant 0 : i32
    %ne3A_778 = arith.cmpi ne, %rem3A_776, %ne3A_777 : i32
    %and3A_779 = arith.andi %ne3A_775, %ne3A_778 : i1
    %sub3A_780 = arith.constant 1 : i32
    %sub3A_781 = arith.subi %div3A_760, %sub3A_780 : i32
    %select_n3A_782 = arith.select %and3A_779, %sub3A_781, %div3A_760 : i32
    %while3A_783 = arith.subi %select_n3A_782, %select_n3A_749 : i32
    %while3A_784 = arith.addi %select_n3A_749, %while3A_783 : i32
    %while3A_785 = arith.constant 1 : i32
    %while3A_786 = arith.divsi %while3A_783, %while3A_785 : i32
    %while3A_787 = arith.muli %while3A_786, %while3A_785 : i32
    %while3A_788 = arith.addi %select_n3A_749, %while3A_787 : i32
    %while3A_789 = arith.constant 1 : i32
    %while3A_790 = scf.for %while3A_1155 = %select_n3A_749 to %while3A_788 step %while3A_789 iter_args(%while3A_1156 = %broadcast_in_dim3A_716) -> (vector<512x33xf32>)  : i32 {
      %mul3A_1157 = arith.constant 1024 : i32
      %mul3A_1158 = arith.muli %while3A_1155, %mul3A_1157 : i32
      %get3A_1159 = arith.index_cast %mul3A_1158 : i32 to index
      %get3A_1160 = arith.constant 0 : index
      %get3A_1161 = vector.load %arg14[%get3A_1159, %get3A_1160] : memref<4096x40xbf16, #tpu.memory_space<vmem>>, vector<1024x40xbf16>
      %get3A_1162 = arith.index_cast %mul3A_1158 : i32 to index
      %get3A_1163 = arith.constant 0 : index
      %get3A_1164 = vector.load %arg15[%get3A_1162, %get3A_1163] : memref<4096x33xbf16, #tpu.memory_space<vmem>>, vector<1024x33xbf16>
      %dot_general3A_1165 = arith.constant dense<0.000000e+00> : vector<512x1024xf32>
      %dot_general3A_1166 = tpu.matmul %get3A_714, %get3A_1161, %dot_general3A_1165 {dimension_numbers = #tpu.dot_dimension_numbers<[1], [1], [0], [0], [0, 0, 1, 0], [], []>, transpose_lhs_hint = false} : vector<512x40xbf16>, vector<1024x40xbf16>, vector<512x1024xf32> -> vector<512x1024xf32>
      %exp3A = math.exp %dot_general3A_1166 : vector<512x1024xf32>
      %convert_element_type3A_1167 = arith.truncf %exp3A : vector<512x1024xf32> to vector<512x1024xbf16>
      %dot_general3A_1168 = arith.constant dense<0.000000e+00> : vector<512x33xf32>
      %dot_general3A_1169 = tpu.matmul %convert_element_type3A_1167, %get3A_1164, %dot_general3A_1168 {dimension_numbers = #tpu.dot_dimension_numbers<[1], [0], [0], [1], [0, 0, 1, 1], [], []>, transpose_lhs_hint = false} : vector<512x1024xbf16>, vector<1024x33xbf16>, vector<512x33xf32> -> vector<512x33xf32>
      %add3A_1170 = arith.addf %while3A_1156, %dot_general3A_1169 : vector<512x33xf32>
      scf.yield %add3A_1170 : vector<512x33xf32>
    }
    %while3A_791 = arith.constant 1 : i32
    %while3A_792 = scf.for %while3A_1155 = %while3A_788 to %while3A_784 step %while3A_791 iter_args(%while3A_1156 = %while3A_790) -> (vector<512x33xf32>)  : i32 {
      %mul3A_1157 = arith.constant 1024 : i32
      %mul3A_1158 = arith.muli %while3A_1155, %mul3A_1157 : i32
      %get3A_1159 = arith.index_cast %mul3A_1158 : i32 to index
      %get3A_1160 = arith.constant 0 : index
      %get3A_1161 = vector.load %arg14[%get3A_1159, %get3A_1160] : memref<4096x40xbf16, #tpu.memory_space<vmem>>, vector<1024x40xbf16>
      %get3A_1162 = arith.index_cast %mul3A_1158 : i32 to index
      %get3A_1163 = arith.constant 0 : index
      %get3A_1164 = vector.load %arg15[%get3A_1162, %get3A_1163] : memref<4096x33xbf16, #tpu.memory_space<vmem>>, vector<1024x33xbf16>
      %dot_general3A_1165 = arith.constant dense<0.000000e+00> : vector<512x1024xf32>
      %dot_general3A_1166 = tpu.matmul %get3A_714, %get3A_1161, %dot_general3A_1165 {dimension_numbers = #tpu.dot_dimension_numbers<[1], [1], [0], [0], [0, 0, 1, 0], [], []>, transpose_lhs_hint = false} : vector<512x40xbf16>, vector<1024x40xbf16>, vector<512x1024xf32> -> vector<512x1024xf32>
      %exp3A = math.exp %dot_general3A_1166 : vector<512x1024xf32>
      %convert_element_type3A_1167 = arith.truncf %exp3A : vector<512x1024xf32> to vector<512x1024xbf16>
      %dot_general3A_1168 = arith.constant dense<0.000000e+00> : vector<512x33xf32>
      %dot_general3A_1169 = tpu.matmul %convert_element_type3A_1167, %get3A_1164, %dot_general3A_1168 {dimension_numbers = #tpu.dot_dimension_numbers<[1], [0], [0], [1], [0, 0, 1, 1], [], []>, transpose_lhs_hint = false} : vector<512x1024xbf16>, vector<1024x33xbf16>, vector<512x33xf32> -> vector<512x33xf32>
      %add3A_1170 = arith.addf %while3A_1156, %dot_general3A_1169 : vector<512x33xf32>
      scf.yield %add3A_1170 : vector<512x33xf32>
    }
    %slice3A_793 = vector.extract_strided_slice %while3A_792 {offsets = [0, 0], sizes = [512, 32], strides = [1, 1]} : vector<512x33xf32> to vector<512x32xf32>
    %slice3A_794 = vector.extract_strided_slice %while3A_792 {offsets = [0, 32], sizes = [512, 1], strides = [1, 1]} : vector<512x33xf32> to vector<512x1xf32>
    %div3A_795 = vector.broadcast %slice3A_794 : vector<512x1xf32> to vector<512x32xf32>
    %div3A_796 = arith.divf %slice3A_793, %div3A_795 : vector<512x32xf32>
    %dot_general3A_797 = arith.constant dense<0.000000e+00> : vector<512x32xf32>
    %dot_general3A_798 = tpu.matmul %div3A_796, %get3A_221, %dot_general3A_797 {dimension_numbers = #tpu.dot_dimension_numbers<[1], [0], [0], [1], [0, 0, 1, 1], [], []>, transpose_lhs_hint = false} : vector<512x32xf32>, vector<32x32xf32>, vector<512x32xf32> -> vector<512x32xf32>
    %swap3A_799 = arith.constant 2560 : index
    %swap3A_800 = arith.constant 0 : index
    %swap3A_801 = vector.load %arg16[%swap3A_799, %swap3A_800] : memref<4096x32xf32, #tpu.memory_space<vmem>>, vector<512x32xf32>
    tpu.vector_store %arg16[%swap3A_799, %swap3A_800], %dot_general3A_798 {strides = array<i32>} : memref<4096x32xf32, #tpu.memory_space<vmem>>, vector<512x32xf32>,
    %reduce_sum3A_802 = arith.constant dense<0.000000e+00> : vector<32xf32>
    %reduce_sum3A_803 = vector.multi_reduction <add>, %dot_general3A_798, %reduce_sum3A_802 [0] : vector<512x32xf32> to vector<32xf32>
    %broadcast_in_dim3A_804 = vector.shape_cast %reduce_sum3A_803 : vector<32xf32> to vector<1x32xf32>
    %add3A_805 = arith.addf %add3A_706, %broadcast_in_dim3A_804 : vector<1x32xf32>
    %mul3A_806 = arith.mulf %dot_general3A_798, %dot_general3A_798 : vector<512x32xf32>
    %reduce_sum3A_807 = arith.constant dense<0.000000e+00> : vector<32xf32>
    %reduce_sum3A_808 = vector.multi_reduction <add>, %mul3A_806, %reduce_sum3A_807 [0] : vector<512x32xf32> to vector<32xf32>
    %broadcast_in_dim3A_809 = vector.shape_cast %reduce_sum3A_808 : vector<32xf32> to vector<1x32xf32>
    %add3A_810 = arith.addf %add3A_711, %broadcast_in_dim3A_809 : vector<1x32xf32>
    %get3A_811 = arith.constant 3072 : index
    %get3A_812 = arith.constant 0 : index
    %get3A_813 = vector.load %arg13[%get3A_811, %get3A_812] : memref<4096x40xbf16, #tpu.memory_space<vmem>>, vector<512x40xbf16>
    %broadcast_in_dim3A_814 = arith.constant 0.000000e+00 : f32
    %broadcast_in_dim3A_815 = vector.broadcast %broadcast_in_dim3A_814 : f32 to vector<512x33xf32>
    %get3A_816 = arith.constant 0 : index
    %get3A_817 = arith.constant 3072 : index
    %get3A_818 = memref.load %arg0[%get3A_816, %get3A_817] : memref<1x4096xi32, #tpu.memory_space<smem>>
    %get3A_819 = arith.constant 0 : index
    %get3A_820 = arith.constant 3583 : index
    %get3A_821 = memref.load %arg0[%get3A_819, %get3A_820] : memref<1x4096xi32, #tpu.memory_space<smem>>
    %get3A_822 = arith.constant 0 : index
    %get3A_823 = arith.index_cast %get3A_818 : i32 to index
    %get3A_824 = memref.load %arg17[%get3A_822, %get3A_823] : memref<1x5xi32, #tpu.memory_space<smem>>
    %jit3A_825 = arith.constant 1024 : i32
    %div3A_826 = arith.divsi %get3A_824, %jit3A_825 : i32
    %sign3A_827 = arith.constant 0 : i32
    %sign3A_828 = arith.cmpi sgt, %get3A_824, %sign3A_827 : i32
    %sign3A_829 = arith.extui %sign3A_828 : i1 to i32
    %sign3A_830 = arith.constant 0 : i32
    %sign3A_831 = arith.cmpi slt, %get3A_824, %sign3A_830 : i32
    %sign3A_832 = arith.extui %sign3A_831 : i1 to i32
    %sign3A_833 = arith.subi %sign3A_829, %sign3A_832 : i32
    %sign3A_834 = arith.constant 0 : i32
    %sign3A_835 = arith.cmpi sgt, %jit3A_825, %sign3A_834 : i32
    %sign3A_836 = arith.extui %sign3A_835 : i1 to i32
    %sign3A_837 = arith.constant 0 : i32
    %sign3A_838 = arith.cmpi slt, %jit3A_825, %sign3A_837 : i32
    %sign3A_839 = arith.extui %sign3A_838 : i1 to i32
    %sign3A_840 = arith.subi %sign3A_836, %sign3A_839 : i32
    %ne3A_841 = arith.cmpi ne, %sign3A_833, %sign3A_840 : i32
    %rem3A_842 = arith.remsi %get3A_824, %jit3A_825 : i32
    %ne3A_843 = arith.constant 0 : i32
    %ne3A_844 = arith.cmpi ne, %rem3A_842, %ne3A_843 : i32
    %and3A_845 = arith.andi %ne3A_841, %ne3A_844 : i1
    %sub3A_846 = arith.constant 1 : i32
    %sub3A_847 = arith.subi %div3A_826, %sub3A_846 : i32
    %select_n3A_848 = arith.select %and3A_845, %sub3A_847, %div3A_826 : i32
    %add3A_849 = arith.constant 1 : i32
    %add3A_850 = arith.addi %get3A_821, %add3A_849 : i32
    %get3A_851 = arith.constant 0 : index
    %get3A_852 = arith.index_cast %add3A_850 : i32 to index
    %get3A_853 = memref.load %arg17[%get3A_851, %get3A_852] : memref<1x5xi32, #tpu.memory_space<smem>>
    %add3A_854 = arith.constant 1024 : i32
    %add3A_855 = arith.addi %get3A_853, %add3A_854 : i32
    %sub3A_856 = arith.constant 1 : i32
    %sub3A_857 = arith.subi %add3A_855, %sub3A_856 : i32
    %jit3A_858 = arith.constant 1024 : i32
    %div3A_859 = arith.divsi %sub3A_857, %jit3A_858 : i32
    %sign3A_860 = arith.constant 0 : i32
    %sign3A_861 = arith.cmpi sgt, %sub3A_857, %sign3A_860 : i32
    %sign3A_862 = arith.extui %sign3A_861 : i1 to i32
    %sign3A_863 = arith.constant 0 : i32
    %sign3A_864 = arith.cmpi slt, %sub3A_857, %sign3A_863 : i32
    %sign3A_865 = arith.extui %sign3A_864 : i1 to i32
    %sign3A_866 = arith.subi %sign3A_862, %sign3A_865 : i32
    %sign3A_867 = arith.constant 0 : i32
    %sign3A_868 = arith.cmpi sgt, %jit3A_858, %sign3A_867 : i32
    %sign3A_869 = arith.extui %sign3A_868 : i1 to i32
    %sign3A_870 = arith.constant 0 : i32
    %sign3A_871 = arith.cmpi slt, %jit3A_858, %sign3A_870 : i32
    %sign3A_872 = arith.extui %sign3A_871 : i1 to i32
    %sign3A_873 = arith.subi %sign3A_869, %sign3A_872 : i32
    %ne3A_874 = arith.cmpi ne, %sign3A_866, %sign3A_873 : i32
    %rem3A_875 = arith.remsi %sub3A_857, %jit3A_858 : i32
    %ne3A_876 = arith.constant 0 : i32
    %ne3A_877 = arith.cmpi ne, %rem3A_875, %ne3A_876 : i32
    %and3A_878 = arith.andi %ne3A_874, %ne3A_877 : i1
    %sub3A_879 = arith.constant 1 : i32
    %sub3A_880 = arith.subi %div3A_859, %sub3A_879 : i32
    %select_n3A_881 = arith.select %and3A_878, %sub3A_880, %div3A_859 : i32
    %while3A_882 = arith.subi %select_n3A_881, %select_n3A_848 : i32
    %while3A_883 = arith.addi %select_n3A_848, %while3A_882 : i32
    %while3A_884 = arith.constant 1 : i32
    %while3A_885 = arith.divsi %while3A_882, %while3A_884 : i32
    %while3A_886 = arith.muli %while3A_885, %while3A_884 : i32
    %while3A_887 = arith.addi %select_n3A_848, %while3A_886 : i32
    %while3A_888 = arith.constant 1 : i32
    %while3A_889 = scf.for %while3A_1155 = %select_n3A_848 to %while3A_887 step %while3A_888 iter_args(%while3A_1156 = %broadcast_in_dim3A_815) -> (vector<512x33xf32>)  : i32 {
      %mul3A_1157 = arith.constant 1024 : i32
      %mul3A_1158 = arith.muli %while3A_1155, %mul3A_1157 : i32
      %get3A_1159 = arith.index_cast %mul3A_1158 : i32 to index
      %get3A_1160 = arith.constant 0 : index
      %get3A_1161 = vector.load %arg14[%get3A_1159, %get3A_1160] : memref<4096x40xbf16, #tpu.memory_space<vmem>>, vector<1024x40xbf16>
      %get3A_1162 = arith.index_cast %mul3A_1158 : i32 to index
      %get3A_1163 = arith.constant 0 : index
      %get3A_1164 = vector.load %arg15[%get3A_1162, %get3A_1163] : memref<4096x33xbf16, #tpu.memory_space<vmem>>, vector<1024x33xbf16>
      %dot_general3A_1165 = arith.constant dense<0.000000e+00> : vector<512x1024xf32>
      %dot_general3A_1166 = tpu.matmul %get3A_813, %get3A_1161, %dot_general3A_1165 {dimension_numbers = #tpu.dot_dimension_numbers<[1], [1], [0], [0], [0, 0, 1, 0], [], []>, transpose_lhs_hint = false} : vector<512x40xbf16>, vector<1024x40xbf16>, vector<512x1024xf32> -> vector<512x1024xf32>
      %exp3A = math.exp %dot_general3A_1166 : vector<512x1024xf32>
      %convert_element_type3A_1167 = arith.truncf %exp3A : vector<512x1024xf32> to vector<512x1024xbf16>
      %dot_general3A_1168 = arith.constant dense<0.000000e+00> : vector<512x33xf32>
      %dot_general3A_1169 = tpu.matmul %convert_element_type3A_1167, %get3A_1164, %dot_general3A_1168 {dimension_numbers = #tpu.dot_dimension_numbers<[1], [0], [0], [1], [0, 0, 1, 1], [], []>, transpose_lhs_hint = false} : vector<512x1024xbf16>, vector<1024x33xbf16>, vector<512x33xf32> -> vector<512x33xf32>
      %add3A_1170 = arith.addf %while3A_1156, %dot_general3A_1169 : vector<512x33xf32>
      scf.yield %add3A_1170 : vector<512x33xf32>
    }
    %while3A_890 = arith.constant 1 : i32
    %while3A_891 = scf.for %while3A_1155 = %while3A_887 to %while3A_883 step %while3A_890 iter_args(%while3A_1156 = %while3A_889) -> (vector<512x33xf32>)  : i32 {
      %mul3A_1157 = arith.constant 1024 : i32
      %mul3A_1158 = arith.muli %while3A_1155, %mul3A_1157 : i32
      %get3A_1159 = arith.index_cast %mul3A_1158 : i32 to index
      %get3A_1160 = arith.constant 0 : index
      %get3A_1161 = vector.load %arg14[%get3A_1159, %get3A_1160] : memref<4096x40xbf16, #tpu.memory_space<vmem>>, vector<1024x40xbf16>
      %get3A_1162 = arith.index_cast %mul3A_1158 : i32 to index
      %get3A_1163 = arith.constant 0 : index
      %get3A_1164 = vector.load %arg15[%get3A_1162, %get3A_1163] : memref<4096x33xbf16, #tpu.memory_space<vmem>>, vector<1024x33xbf16>
      %dot_general3A_1165 = arith.constant dense<0.000000e+00> : vector<512x1024xf32>
      %dot_general3A_1166 = tpu.matmul %get3A_813, %get3A_1161, %dot_general3A_1165 {dimension_numbers = #tpu.dot_dimension_numbers<[1], [1], [0], [0], [0, 0, 1, 0], [], []>, transpose_lhs_hint = false} : vector<512x40xbf16>, vector<1024x40xbf16>, vector<512x1024xf32> -> vector<512x1024xf32>
      %exp3A = math.exp %dot_general3A_1166 : vector<512x1024xf32>
      %convert_element_type3A_1167 = arith.truncf %exp3A : vector<512x1024xf32> to vector<512x1024xbf16>
      %dot_general3A_1168 = arith.constant dense<0.000000e+00> : vector<512x33xf32>
      %dot_general3A_1169 = tpu.matmul %convert_element_type3A_1167, %get3A_1164, %dot_general3A_1168 {dimension_numbers = #tpu.dot_dimension_numbers<[1], [0], [0], [1], [0, 0, 1, 1], [], []>, transpose_lhs_hint = false} : vector<512x1024xbf16>, vector<1024x33xbf16>, vector<512x33xf32> -> vector<512x33xf32>
      %add3A_1170 = arith.addf %while3A_1156, %dot_general3A_1169 : vector<512x33xf32>
      scf.yield %add3A_1170 : vector<512x33xf32>
    }
    %slice3A_892 = vector.extract_strided_slice %while3A_891 {offsets = [0, 0], sizes = [512, 32], strides = [1, 1]} : vector<512x33xf32> to vector<512x32xf32>
    %slice3A_893 = vector.extract_strided_slice %while3A_891 {offsets = [0, 32], sizes = [512, 1], strides = [1, 1]} : vector<512x33xf32> to vector<512x1xf32>
    %div3A_894 = vector.broadcast %slice3A_893 : vector<512x1xf32> to vector<512x32xf32>
    %div3A_895 = arith.divf %slice3A_892, %div3A_894 : vector<512x32xf32>
    %dot_general3A_896 = arith.constant dense<0.000000e+00> : vector<512x32xf32>
    %dot_general3A_897 = tpu.matmul %div3A_895, %get3A_221, %dot_general3A_896 {dimension_numbers = #tpu.dot_dimension_numbers<[1], [0], [0], [1], [0, 0, 1, 1], [], []>, transpose_lhs_hint = false} : vector<512x32xf32>, vector<32x32xf32>, vector<512x32xf32> -> vector<512x32xf32>
    %swap3A_898 = arith.constant 3072 : index
    %swap3A_899 = arith.constant 0 : index
    %swap3A_900 = vector.load %arg16[%swap3A_898, %swap3A_899] : memref<4096x32xf32, #tpu.memory_space<vmem>>, vector<512x32xf32>
    tpu.vector_store %arg16[%swap3A_898, %swap3A_899], %dot_general3A_897 {strides = array<i32>} : memref<4096x32xf32, #tpu.memory_space<vmem>>, vector<512x32xf32>,
    %reduce_sum3A_901 = arith.constant dense<0.000000e+00> : vector<32xf32>
    %reduce_sum3A_902 = vector.multi_reduction <add>, %dot_general3A_897, %reduce_sum3A_901 [0] : vector<512x32xf32> to vector<32xf32>
    %broadcast_in_dim3A_903 = vector.shape_cast %reduce_sum3A_902 : vector<32xf32> to vector<1x32xf32>
    %add3A_904 = arith.addf %add3A_805, %broadcast_in_dim3A_903 : vector<1x32xf32>
    %mul3A_905 = arith.mulf %dot_general3A_897, %dot_general3A_897 : vector<512x32xf32>
    %reduce_sum3A_906 = arith.constant dense<0.000000e+00> : vector<32xf32>
    %reduce_sum3A_907 = vector.multi_reduction <add>, %mul3A_905, %reduce_sum3A_906 [0] : vector<512x32xf32> to vector<32xf32>
    %broadcast_in_dim3A_908 = vector.shape_cast %reduce_sum3A_907 : vector<32xf32> to vector<1x32xf32>
    %add3A_909 = arith.addf %add3A_810, %broadcast_in_dim3A_908 : vector<1x32xf32>
    %get3A_910 = arith.constant 3584 : index
    %get3A_911 = arith.constant 0 : index
    %get3A_912 = vector.load %arg13[%get3A_910, %get3A_911] : memref<4096x40xbf16, #tpu.memory_space<vmem>>, vector<512x40xbf16>
    %broadcast_in_dim3A_913 = arith.constant 0.000000e+00 : f32
    %broadcast_in_dim3A_914 = vector.broadcast %broadcast_in_dim3A_913 : f32 to vector<512x33xf32>
    %get3A_915 = arith.constant 0 : index
    %get3A_916 = arith.constant 3584 : index
    %get3A_917 = memref.load %arg0[%get3A_915, %get3A_916] : memref<1x4096xi32, #tpu.memory_space<smem>>
    %get3A_918 = arith.constant 0 : index
    %get3A_919 = arith.constant 4095 : index
    %get3A_920 = memref.load %arg0[%get3A_918, %get3A_919] : memref<1x4096xi32, #tpu.memory_space<smem>>
    %get3A_921 = arith.constant 0 : index
    %get3A_922 = arith.index_cast %get3A_917 : i32 to index
    %get3A_923 = memref.load %arg17[%get3A_921, %get3A_922] : memref<1x5xi32, #tpu.memory_space<smem>>
    %jit3A_924 = arith.constant 1024 : i32
    %div3A_925 = arith.divsi %get3A_923, %jit3A_924 : i32
    %sign3A_926 = arith.constant 0 : i32
    %sign3A_927 = arith.cmpi sgt, %get3A_923, %sign3A_926 : i32
    %sign3A_928 = arith.extui %sign3A_927 : i1 to i32
    %sign3A_929 = arith.constant 0 : i32
    %sign3A_930 = arith.cmpi slt, %get3A_923, %sign3A_929 : i32
    %sign3A_931 = arith.extui %sign3A_930 : i1 to i32
    %sign3A_932 = arith.subi %sign3A_928, %sign3A_931 : i32
    %sign3A_933 = arith.constant 0 : i32
    %sign3A_934 = arith.cmpi sgt, %jit3A_924, %sign3A_933 : i32
    %sign3A_935 = arith.extui %sign3A_934 : i1 to i32
    %sign3A_936 = arith.constant 0 : i32
    %sign3A_937 = arith.cmpi slt, %jit3A_924, %sign3A_936 : i32
    %sign3A_938 = arith.extui %sign3A_937 : i1 to i32
    %sign3A_939 = arith.subi %sign3A_935, %sign3A_938 : i32
    %ne3A_940 = arith.cmpi ne, %sign3A_932, %sign3A_939 : i32
    %rem3A_941 = arith.remsi %get3A_923, %jit3A_924 : i32
    %ne3A_942 = arith.constant 0 : i32
    %ne3A_943 = arith.cmpi ne, %rem3A_941, %ne3A_942 : i32
    %and3A_944 = arith.andi %ne3A_940, %ne3A_943 : i1
    %sub3A_945 = arith.constant 1 : i32
    %sub3A_946 = arith.subi %div3A_925, %sub3A_945 : i32
    %select_n3A_947 = arith.select %and3A_944, %sub3A_946, %div3A_925 : i32
    %add3A_948 = arith.constant 1 : i32
    %add3A_949 = arith.addi %get3A_920, %add3A_948 : i32
    %get3A_950 = arith.constant 0 : index
    %get3A_951 = arith.index_cast %add3A_949 : i32 to index
    %get3A_952 = memref.load %arg17[%get3A_950, %get3A_951] : memref<1x5xi32, #tpu.memory_space<smem>>
    %add3A_953 = arith.constant 1024 : i32
    %add3A_954 = arith.addi %get3A_952, %add3A_953 : i32
    %sub3A_955 = arith.constant 1 : i32
    %sub3A_956 = arith.subi %add3A_954, %sub3A_955 : i32
    %jit3A_957 = arith.constant 1024 : i32
    %div3A_958 = arith.divsi %sub3A_956, %jit3A_957 : i32
    %sign3A_959 = arith.constant 0 : i32
    %sign3A_960 = arith.cmpi sgt, %sub3A_956, %sign3A_959 : i32
    %sign3A_961 = arith.extui %sign3A_960 : i1 to i32
    %sign3A_962 = arith.constant 0 : i32
    %sign3A_963 = arith.cmpi slt, %sub3A_956, %sign3A_962 : i32
    %sign3A_964 = arith.extui %sign3A_963 : i1 to i32
    %sign3A_965 = arith.subi %sign3A_961, %sign3A_964 : i32
    %sign3A_966 = arith.constant 0 : i32
    %sign3A_967 = arith.cmpi sgt, %jit3A_957, %sign3A_966 : i32
    %sign3A_968 = arith.extui %sign3A_967 : i1 to i32
    %sign3A_969 = arith.constant 0 : i32
    %sign3A_970 = arith.cmpi slt, %jit3A_957, %sign3A_969 : i32
    %sign3A_971 = arith.extui %sign3A_970 : i1 to i32
    %sign3A_972 = arith.subi %sign3A_968, %sign3A_971 : i32
    %ne3A_973 = arith.cmpi ne, %sign3A_965, %sign3A_972 : i32
    %rem3A_974 = arith.remsi %sub3A_956, %jit3A_957 : i32
    %ne3A_975 = arith.constant 0 : i32
    %ne3A_976 = arith.cmpi ne, %rem3A_974, %ne3A_975 : i32
    %and3A_977 = arith.andi %ne3A_973, %ne3A_976 : i1
    %sub3A_978 = arith.constant 1 : i32
    %sub3A_979 = arith.subi %div3A_958, %sub3A_978 : i32
    %select_n3A_980 = arith.select %and3A_977, %sub3A_979, %div3A_958 : i32
    %while3A_981 = arith.subi %select_n3A_980, %select_n3A_947 : i32
    %while3A_982 = arith.addi %select_n3A_947, %while3A_981 : i32
    %while3A_983 = arith.constant 1 : i32
    %while3A_984 = arith.divsi %while3A_981, %while3A_983 : i32
    %while3A_985 = arith.muli %while3A_984, %while3A_983 : i32
    %while3A_986 = arith.addi %select_n3A_947, %while3A_985 : i32
    %while3A_987 = arith.constant 1 : i32
    %while3A_988 = scf.for %while3A_1155 = %select_n3A_947 to %while3A_986 step %while3A_987 iter_args(%while3A_1156 = %broadcast_in_dim3A_914) -> (vector<512x33xf32>)  : i32 {
      %mul3A_1157 = arith.constant 1024 : i32
      %mul3A_1158 = arith.muli %while3A_1155, %mul3A_1157 : i32
      %get3A_1159 = arith.index_cast %mul3A_1158 : i32 to index
      %get3A_1160 = arith.constant 0 : index
      %get3A_1161 = vector.load %arg14[%get3A_1159, %get3A_1160] : memref<4096x40xbf16, #tpu.memory_space<vmem>>, vector<1024x40xbf16>
      %get3A_1162 = arith.index_cast %mul3A_1158 : i32 to index
      %get3A_1163 = arith.constant 0 : index
      %get3A_1164 = vector.load %arg15[%get3A_1162, %get3A_1163] : memref<4096x33xbf16, #tpu.memory_space<vmem>>, vector<1024x33xbf16>
      %dot_general3A_1165 = arith.constant dense<0.000000e+00> : vector<512x1024xf32>
      %dot_general3A_1166 = tpu.matmul %get3A_912, %get3A_1161, %dot_general3A_1165 {dimension_numbers = #tpu.dot_dimension_numbers<[1], [1], [0], [0], [0, 0, 1, 0], [], []>, transpose_lhs_hint = false} : vector<512x40xbf16>, vector<1024x40xbf16>, vector<512x1024xf32> -> vector<512x1024xf32>
      %exp3A = math.exp %dot_general3A_1166 : vector<512x1024xf32>
      %convert_element_type3A_1167 = arith.truncf %exp3A : vector<512x1024xf32> to vector<512x1024xbf16>
      %dot_general3A_1168 = arith.constant dense<0.000000e+00> : vector<512x33xf32>
      %dot_general3A_1169 = tpu.matmul %convert_element_type3A_1167, %get3A_1164, %dot_general3A_1168 {dimension_numbers = #tpu.dot_dimension_numbers<[1], [0], [0], [1], [0, 0, 1, 1], [], []>, transpose_lhs_hint = false} : vector<512x1024xbf16>, vector<1024x33xbf16>, vector<512x33xf32> -> vector<512x33xf32>
      %add3A_1170 = arith.addf %while3A_1156, %dot_general3A_1169 : vector<512x33xf32>
      scf.yield %add3A_1170 : vector<512x33xf32>
    }
    %while3A_989 = arith.constant 1 : i32
    %while3A_990 = scf.for %while3A_1155 = %while3A_986 to %while3A_982 step %while3A_989 iter_args(%while3A_1156 = %while3A_988) -> (vector<512x33xf32>)  : i32 {
      %mul3A_1157 = arith.constant 1024 : i32
      %mul3A_1158 = arith.muli %while3A_1155, %mul3A_1157 : i32
      %get3A_1159 = arith.index_cast %mul3A_1158 : i32 to index
      %get3A_1160 = arith.constant 0 : index
      %get3A_1161 = vector.load %arg14[%get3A_1159, %get3A_1160] : memref<4096x40xbf16, #tpu.memory_space<vmem>>, vector<1024x40xbf16>
      %get3A_1162 = arith.index_cast %mul3A_1158 : i32 to index
      %get3A_1163 = arith.constant 0 : index
      %get3A_1164 = vector.load %arg15[%get3A_1162, %get3A_1163] : memref<4096x33xbf16, #tpu.memory_space<vmem>>, vector<1024x33xbf16>
      %dot_general3A_1165 = arith.constant dense<0.000000e+00> : vector<512x1024xf32>
      %dot_general3A_1166 = tpu.matmul %get3A_912, %get3A_1161, %dot_general3A_1165 {dimension_numbers = #tpu.dot_dimension_numbers<[1], [1], [0], [0], [0, 0, 1, 0], [], []>, transpose_lhs_hint = false} : vector<512x40xbf16>, vector<1024x40xbf16>, vector<512x1024xf32> -> vector<512x1024xf32>
      %exp3A = math.exp %dot_general3A_1166 : vector<512x1024xf32>
      %convert_element_type3A_1167 = arith.truncf %exp3A : vector<512x1024xf32> to vector<512x1024xbf16>
      %dot_general3A_1168 = arith.constant dense<0.000000e+00> : vector<512x33xf32>
      %dot_general3A_1169 = tpu.matmul %convert_element_type3A_1167, %get3A_1164, %dot_general3A_1168 {dimension_numbers = #tpu.dot_dimension_numbers<[1], [0], [0], [1], [0, 0, 1, 1], [], []>, transpose_lhs_hint = false} : vector<512x1024xbf16>, vector<1024x33xbf16>, vector<512x33xf32> -> vector<512x33xf32>
      %add3A_1170 = arith.addf %while3A_1156, %dot_general3A_1169 : vector<512x33xf32>
      scf.yield %add3A_1170 : vector<512x33xf32>
    }
    %slice3A_991 = vector.extract_strided_slice %while3A_990 {offsets = [0, 0], sizes = [512, 32], strides = [1, 1]} : vector<512x33xf32> to vector<512x32xf32>
    %slice3A_992 = vector.extract_strided_slice %while3A_990 {offsets = [0, 32], sizes = [512, 1], strides = [1, 1]} : vector<512x33xf32> to vector<512x1xf32>
    %div3A_993 = vector.broadcast %slice3A_992 : vector<512x1xf32> to vector<512x32xf32>
    %div3A_994 = arith.divf %slice3A_991, %div3A_993 : vector<512x32xf32>
    %dot_general3A_995 = arith.constant dense<0.000000e+00> : vector<512x32xf32>
    %dot_general3A_996 = tpu.matmul %div3A_994, %get3A_221, %dot_general3A_995 {dimension_numbers = #tpu.dot_dimension_numbers<[1], [0], [0], [1], [0, 0, 1, 1], [], []>, transpose_lhs_hint = false} : vector<512x32xf32>, vector<32x32xf32>, vector<512x32xf32> -> vector<512x32xf32>
    %swap3A_997 = arith.constant 3584 : index
    %swap3A_998 = arith.constant 0 : index
    %swap3A_999 = vector.load %arg16[%swap3A_997, %swap3A_998] : memref<4096x32xf32, #tpu.memory_space<vmem>>, vector<512x32xf32>
    tpu.vector_store %arg16[%swap3A_997, %swap3A_998], %dot_general3A_996 {strides = array<i32>} : memref<4096x32xf32, #tpu.memory_space<vmem>>, vector<512x32xf32>,
    %reduce_sum3A_1000 = arith.constant dense<0.000000e+00> : vector<32xf32>
    %reduce_sum3A_1001 = vector.multi_reduction <add>, %dot_general3A_996, %reduce_sum3A_1000 [0] : vector<512x32xf32> to vector<32xf32>
    %broadcast_in_dim3A_1002 = vector.shape_cast %reduce_sum3A_1001 : vector<32xf32> to vector<1x32xf32>
    %add3A_1003 = arith.addf %add3A_904, %broadcast_in_dim3A_1002 : vector<1x32xf32>
    %mul3A_1004 = arith.mulf %dot_general3A_996, %dot_general3A_996 : vector<512x32xf32>
    %reduce_sum3A_1005 = arith.constant dense<0.000000e+00> : vector<32xf32>
    %reduce_sum3A_1006 = vector.multi_reduction <add>, %mul3A_1004, %reduce_sum3A_1005 [0] : vector<512x32xf32> to vector<32xf32>
    %broadcast_in_dim3A_1007 = vector.shape_cast %reduce_sum3A_1006 : vector<32xf32> to vector<1x32xf32>
    %add3A_1008 = arith.addf %add3A_909, %broadcast_in_dim3A_1007 : vector<1x32xf32>
    %div3A_1009 = arith.constant 4.096000e+03 : f32
    %div3A_1010 = vector.broadcast %div3A_1009 : f32 to vector<1x32xf32>
    %div3A_1011 = arith.divf %add3A_1003, %div3A_1010 : vector<1x32xf32>
    %div3A_1012 = arith.constant 4.096000e+03 : f32
    %div3A_1013 = vector.broadcast %div3A_1012 : f32 to vector<1x32xf32>
    %div3A_1014 = arith.divf %add3A_1008, %div3A_1013 : vector<1x32xf32>
    %mul3A_1015 = arith.mulf %div3A_1011, %div3A_1011 : vector<1x32xf32>
    %sub3A_1016 = arith.subf %div3A_1014, %mul3A_1015 : vector<1x32xf32>
    %add3A_1017 = arith.constant 9.99999974E-6 : f32
    %add3A_1018 = vector.broadcast %add3A_1017 : f32 to vector<1x32xf32>
    %add3A_1019 = arith.addf %sub3A_1016, %add3A_1018 : vector<1x32xf32>
    %rsqrt3A = math.rsqrt %add3A_1019 : vector<1x32xf32>
    %get3A_1020 = arith.constant 0 : index
    %get3A_1021 = arith.constant 0 : index
    %get3A_1022 = vector.load %arg9[%get3A_1020, %get3A_1021] : memref<1x32xf32, #tpu.memory_space<vmem>>, vector<1x32xf32>
    %mul3A_1023 = arith.mulf %rsqrt3A, %get3A_1022 : vector<1x32xf32>
    %get3A_1024 = arith.constant 0 : index
    %get3A_1025 = arith.constant 0 : index
    %get3A_1026 = vector.load %arg10[%get3A_1024, %get3A_1025] : memref<1x32xf32, #tpu.memory_space<vmem>>, vector<1x32xf32>
    %get3A_1027 = arith.constant 0 : index
    %get3A_1028 = arith.constant 0 : index
    %get3A_1029 = vector.load %arg16[%get3A_1027, %get3A_1028] : memref<4096x32xf32, #tpu.memory_space<vmem>>, vector<512x32xf32>
    %get3A_1030 = arith.constant 0 : index
    %get3A_1031 = arith.constant 0 : index
    %get3A_1032 = vector.load %arg12[%get3A_1030, %get3A_1031] : memref<4096x32xf32, #tpu.memory_space<vmem>>, vector<512x32xf32>
    %sub3A_1033 = vector.broadcast %div3A_1011 : vector<1x32xf32> to vector<512x32xf32>
    %sub3A_1034 = arith.subf %get3A_1029, %sub3A_1033 : vector<512x32xf32>
    %mul3A_1035 = vector.broadcast %mul3A_1023 : vector<1x32xf32> to vector<512x32xf32>
    %mul3A_1036 = arith.mulf %sub3A_1034, %mul3A_1035 : vector<512x32xf32>
    %add3A_1037 = arith.addf %get3A_1032, %mul3A_1036 : vector<512x32xf32>
    %add3A_1038 = vector.broadcast %get3A_1026 : vector<1x32xf32> to vector<512x32xf32>
    %add3A_1039 = arith.addf %add3A_1037, %add3A_1038 : vector<512x32xf32>
    %swap3A_1040 = arith.constant 0 : index
    %swap3A_1041 = arith.constant 0 : index
    %swap3A_1042 = vector.load %arg11[%swap3A_1040, %swap3A_1041] : memref<4096x32xf32, #tpu.memory_space<vmem>>, vector<512x32xf32>
    tpu.vector_store %arg11[%swap3A_1040, %swap3A_1041], %add3A_1039 {strides = array<i32>} : memref<4096x32xf32, #tpu.memory_space<vmem>>, vector<512x32xf32>,
    %get3A_1043 = arith.constant 512 : index
    %get3A_1044 = arith.constant 0 : index
    %get3A_1045 = vector.load %arg16[%get3A_1043, %get3A_1044] : memref<4096x32xf32, #tpu.memory_space<vmem>>, vector<512x32xf32>
    %get3A_1046 = arith.constant 512 : index
    %get3A_1047 = arith.constant 0 : index
    %get3A_1048 = vector.load %arg12[%get3A_1046, %get3A_1047] : memref<4096x32xf32, #tpu.memory_space<vmem>>, vector<512x32xf32>
    %sub3A_1049 = vector.broadcast %div3A_1011 : vector<1x32xf32> to vector<512x32xf32>
    %sub3A_1050 = arith.subf %get3A_1045, %sub3A_1049 : vector<512x32xf32>
    %mul3A_1051 = vector.broadcast %mul3A_1023 : vector<1x32xf32> to vector<512x32xf32>
    %mul3A_1052 = arith.mulf %sub3A_1050, %mul3A_1051 : vector<512x32xf32>
    %add3A_1053 = arith.addf %get3A_1048, %mul3A_1052 : vector<512x32xf32>
    %add3A_1054 = vector.broadcast %get3A_1026 : vector<1x32xf32> to vector<512x32xf32>
    %add3A_1055 = arith.addf %add3A_1053, %add3A_1054 : vector<512x32xf32>
    %swap3A_1056 = arith.constant 512 : index
    %swap3A_1057 = arith.constant 0 : index
    %swap3A_1058 = vector.load %arg11[%swap3A_1056, %swap3A_1057] : memref<4096x32xf32, #tpu.memory_space<vmem>>, vector<512x32xf32>
    tpu.vector_store %arg11[%swap3A_1056, %swap3A_1057], %add3A_1055 {strides = array<i32>} : memref<4096x32xf32, #tpu.memory_space<vmem>>, vector<512x32xf32>,
    %get3A_1059 = arith.constant 1024 : index
    %get3A_1060 = arith.constant 0 : index
    %get3A_1061 = vector.load %arg16[%get3A_1059, %get3A_1060] : memref<4096x32xf32, #tpu.memory_space<vmem>>, vector<512x32xf32>
    %get3A_1062 = arith.constant 1024 : index
    %get3A_1063 = arith.constant 0 : index
    %get3A_1064 = vector.load %arg12[%get3A_1062, %get3A_1063] : memref<4096x32xf32, #tpu.memory_space<vmem>>, vector<512x32xf32>
    %sub3A_1065 = vector.broadcast %div3A_1011 : vector<1x32xf32> to vector<512x32xf32>
    %sub3A_1066 = arith.subf %get3A_1061, %sub3A_1065 : vector<512x32xf32>
    %mul3A_1067 = vector.broadcast %mul3A_1023 : vector<1x32xf32> to vector<512x32xf32>
    %mul3A_1068 = arith.mulf %sub3A_1066, %mul3A_1067 : vector<512x32xf32>
    %add3A_1069 = arith.addf %get3A_1064, %mul3A_1068 : vector<512x32xf32>
    %add3A_1070 = vector.broadcast %get3A_1026 : vector<1x32xf32> to vector<512x32xf32>
    %add3A_1071 = arith.addf %add3A_1069, %add3A_1070 : vector<512x32xf32>
    %swap3A_1072 = arith.constant 1024 : index
    %swap3A_1073 = arith.constant 0 : index
    %swap3A_1074 = vector.load %arg11[%swap3A_1072, %swap3A_1073] : memref<4096x32xf32, #tpu.memory_space<vmem>>, vector<512x32xf32>
    tpu.vector_store %arg11[%swap3A_1072, %swap3A_1073], %add3A_1071 {strides = array<i32>} : memref<4096x32xf32, #tpu.memory_space<vmem>>, vector<512x32xf32>,
    %get3A_1075 = arith.constant 1536 : index
    %get3A_1076 = arith.constant 0 : index
    %get3A_1077 = vector.load %arg16[%get3A_1075, %get3A_1076] : memref<4096x32xf32, #tpu.memory_space<vmem>>, vector<512x32xf32>
    %get3A_1078 = arith.constant 1536 : index
    %get3A_1079 = arith.constant 0 : index
    %get3A_1080 = vector.load %arg12[%get3A_1078, %get3A_1079] : memref<4096x32xf32, #tpu.memory_space<vmem>>, vector<512x32xf32>
    %sub3A_1081 = vector.broadcast %div3A_1011 : vector<1x32xf32> to vector<512x32xf32>
    %sub3A_1082 = arith.subf %get3A_1077, %sub3A_1081 : vector<512x32xf32>
    %mul3A_1083 = vector.broadcast %mul3A_1023 : vector<1x32xf32> to vector<512x32xf32>
    %mul3A_1084 = arith.mulf %sub3A_1082, %mul3A_1083 : vector<512x32xf32>
    %add3A_1085 = arith.addf %get3A_1080, %mul3A_1084 : vector<512x32xf32>
    %add3A_1086 = vector.broadcast %get3A_1026 : vector<1x32xf32> to vector<512x32xf32>
    %add3A_1087 = arith.addf %add3A_1085, %add3A_1086 : vector<512x32xf32>
    %swap3A_1088 = arith.constant 1536 : index
    %swap3A_1089 = arith.constant 0 : index
    %swap3A_1090 = vector.load %arg11[%swap3A_1088, %swap3A_1089] : memref<4096x32xf32, #tpu.memory_space<vmem>>, vector<512x32xf32>
    tpu.vector_store %arg11[%swap3A_1088, %swap3A_1089], %add3A_1087 {strides = array<i32>} : memref<4096x32xf32, #tpu.memory_space<vmem>>, vector<512x32xf32>,
    %get3A_1091 = arith.constant 2048 : index
    %get3A_1092 = arith.constant 0 : index
    %get3A_1093 = vector.load %arg16[%get3A_1091, %get3A_1092] : memref<4096x32xf32, #tpu.memory_space<vmem>>, vector<512x32xf32>
    %get3A_1094 = arith.constant 2048 : index
    %get3A_1095 = arith.constant 0 : index
    %get3A_1096 = vector.load %arg12[%get3A_1094, %get3A_1095] : memref<4096x32xf32, #tpu.memory_space<vmem>>, vector<512x32xf32>
    %sub3A_1097 = vector.broadcast %div3A_1011 : vector<1x32xf32> to vector<512x32xf32>
    %sub3A_1098 = arith.subf %get3A_1093, %sub3A_1097 : vector<512x32xf32>
    %mul3A_1099 = vector.broadcast %mul3A_1023 : vector<1x32xf32> to vector<512x32xf32>
    %mul3A_1100 = arith.mulf %sub3A_1098, %mul3A_1099 : vector<512x32xf32>
    %add3A_1101 = arith.addf %get3A_1096, %mul3A_1100 : vector<512x32xf32>
    %add3A_1102 = vector.broadcast %get3A_1026 : vector<1x32xf32> to vector<512x32xf32>
    %add3A_1103 = arith.addf %add3A_1101, %add3A_1102 : vector<512x32xf32>
    %swap3A_1104 = arith.constant 2048 : index
    %swap3A_1105 = arith.constant 0 : index
    %swap3A_1106 = vector.load %arg11[%swap3A_1104, %swap3A_1105] : memref<4096x32xf32, #tpu.memory_space<vmem>>, vector<512x32xf32>
    tpu.vector_store %arg11[%swap3A_1104, %swap3A_1105], %add3A_1103 {strides = array<i32>} : memref<4096x32xf32, #tpu.memory_space<vmem>>, vector<512x32xf32>,
    %get3A_1107 = arith.constant 2560 : index
    %get3A_1108 = arith.constant 0 : index
    %get3A_1109 = vector.load %arg16[%get3A_1107, %get3A_1108] : memref<4096x32xf32, #tpu.memory_space<vmem>>, vector<512x32xf32>
    %get3A_1110 = arith.constant 2560 : index
    %get3A_1111 = arith.constant 0 : index
    %get3A_1112 = vector.load %arg12[%get3A_1110, %get3A_1111] : memref<4096x32xf32, #tpu.memory_space<vmem>>, vector<512x32xf32>
    %sub3A_1113 = vector.broadcast %div3A_1011 : vector<1x32xf32> to vector<512x32xf32>
    %sub3A_1114 = arith.subf %get3A_1109, %sub3A_1113 : vector<512x32xf32>
    %mul3A_1115 = vector.broadcast %mul3A_1023 : vector<1x32xf32> to vector<512x32xf32>
    %mul3A_1116 = arith.mulf %sub3A_1114, %mul3A_1115 : vector<512x32xf32>
    %add3A_1117 = arith.addf %get3A_1112, %mul3A_1116 : vector<512x32xf32>
    %add3A_1118 = vector.broadcast %get3A_1026 : vector<1x32xf32> to vector<512x32xf32>
    %add3A_1119 = arith.addf %add3A_1117, %add3A_1118 : vector<512x32xf32>
    %swap3A_1120 = arith.constant 2560 : index
    %swap3A_1121 = arith.constant 0 : index
    %swap3A_1122 = vector.load %arg11[%swap3A_1120, %swap3A_1121] : memref<4096x32xf32, #tpu.memory_space<vmem>>, vector<512x32xf32>
    tpu.vector_store %arg11[%swap3A_1120, %swap3A_1121], %add3A_1119 {strides = array<i32>} : memref<4096x32xf32, #tpu.memory_space<vmem>>, vector<512x32xf32>,
    %get3A_1123 = arith.constant 3072 : index
    %get3A_1124 = arith.constant 0 : index
    %get3A_1125 = vector.load %arg16[%get3A_1123, %get3A_1124] : memref<4096x32xf32, #tpu.memory_space<vmem>>, vector<512x32xf32>
    %get3A_1126 = arith.constant 3072 : index
    %get3A_1127 = arith.constant 0 : index
    %get3A_1128 = vector.load %arg12[%get3A_1126, %get3A_1127] : memref<4096x32xf32, #tpu.memory_space<vmem>>, vector<512x32xf32>
    %sub3A_1129 = vector.broadcast %div3A_1011 : vector<1x32xf32> to vector<512x32xf32>
    %sub3A_1130 = arith.subf %get3A_1125, %sub3A_1129 : vector<512x32xf32>
    %mul3A_1131 = vector.broadcast %mul3A_1023 : vector<1x32xf32> to vector<512x32xf32>
    %mul3A_1132 = arith.mulf %sub3A_1130, %mul3A_1131 : vector<512x32xf32>
    %add3A_1133 = arith.addf %get3A_1128, %mul3A_1132 : vector<512x32xf32>
    %add3A_1134 = vector.broadcast %get3A_1026 : vector<1x32xf32> to vector<512x32xf32>
    %add3A_1135 = arith.addf %add3A_1133, %add3A_1134 : vector<512x32xf32>
    %swap3A_1136 = arith.constant 3072 : index
    %swap3A_1137 = arith.constant 0 : index
    %swap3A_1138 = vector.load %arg11[%swap3A_1136, %swap3A_1137] : memref<4096x32xf32, #tpu.memory_space<vmem>>, vector<512x32xf32>
    tpu.vector_store %arg11[%swap3A_1136, %swap3A_1137], %add3A_1135 {strides = array<i32>} : memref<4096x32xf32, #tpu.memory_space<vmem>>, vector<512x32xf32>,
    %get3A_1139 = arith.constant 3584 : index
    %get3A_1140 = arith.constant 0 : index
    %get3A_1141 = vector.load %arg16[%get3A_1139, %get3A_1140] : memref<4096x32xf32, #tpu.memory_space<vmem>>, vector<512x32xf32>
    %get3A_1142 = arith.constant 3584 : index
    %get3A_1143 = arith.constant 0 : index
    %get3A_1144 = vector.load %arg12[%get3A_1142, %get3A_1143] : memref<4096x32xf32, #tpu.memory_space<vmem>>, vector<512x32xf32>
    %sub3A_1145 = vector.broadcast %div3A_1011 : vector<1x32xf32> to vector<512x32xf32>
    %sub3A_1146 = arith.subf %get3A_1141, %sub3A_1145 : vector<512x32xf32>
    %mul3A_1147 = vector.broadcast %mul3A_1023 : vector<1x32xf32> to vector<512x32xf32>
    %mul3A_1148 = arith.mulf %sub3A_1146, %mul3A_1147 : vector<512x32xf32>
    %add3A_1149 = arith.addf %get3A_1144, %mul3A_1148 : vector<512x32xf32>
    %add3A_1150 = vector.broadcast %get3A_1026 : vector<1x32xf32> to vector<512x32xf32>
    %add3A_1151 = arith.addf %add3A_1149, %add3A_1150 : vector<512x32xf32>
    %swap3A_1152 = arith.constant 3584 : index
    %swap3A_1153 = arith.constant 0 : index
    %swap3A_1154 = vector.load %arg11[%swap3A_1152, %swap3A_1153] : memref<4096x32xf32, #tpu.memory_space<vmem>>, vector<512x32xf32>
    tpu.vector_store %arg11[%swap3A_1152, %swap3A_1153], %add3A_1151 {strides = array<i32>} : memref<4096x32xf32, #tpu.memory_space<vmem>>, vector<512x32xf32>,
    return
  }
}

</mosaic_0001>

<sc_bundles>
// kernel: kernel.4.cloned.1.call-start
scs
__scs_entry_jumppad:
0x0: {  	(pc) =	sbr.rel $0x88, $3  }
0x1: {  	(tag) =	ssettag $0x0;
	lr =	simm.s32 $0x1  }
0x2: {  	[smem:$0x3F98] =	sst lr;
	_ =	strace $0xD0000000  }
0x3: {  	_ = 	snop  }
0x4: {  	_ = 	snop  }
0x5: {  	_ = 	snop  }
0x6: {  	_ = 	snop  }
0x7: {  	_ = 	snop  }
__scs_overlays_trampoline_lowered:
0x8: {  	[smem:$0x3FA7] =	sst s0  }
0x9: {  	[smem:$0x3FA8] =	sst s1  }
0xa: {  	[smem:$0x3FA9] =	sst s2  }
0xb: {  	[smem:$0x3FAA] =	sst s3  }
0xc: {  	[smem:$0x3FAB] =	sst s4  }
0xd: {  	[smem:$0x3FAC] =	sst s5  }
0xe: {  	[smem:$0x3FAD] =	sst s6  }
0xf: {  	[smem:$0x3FAE] =	sst s7  }
0x10: {  	[smem:$0x3FAF] =	sst s8  }
0x11: {  	[smem:$0x3FB0] =	sst s9;
	s0 =	simm.s32 @!p0 $0x0  }
0x12: {  	s1 =	sld [smem:$0x3F96];
	s0 =	simm.s32 @p0 $0x1  }
0x13: {  	[smem:$0x3FB1] =	sst s0;
	s0 =	simm.s32 @!p1 $0x0  }
0x14: {  	s2 =	sld [smem:$0x3F95];
	s0 =	simm.s32 @p1 $0x1  }
0x15: {  	[smem:$0x3FB2] =	sst s0;
	s0 =	simm.s32 @!p2 $0x0  }
0x16: {  	s3 =	sld [smem:$0x3FDB];
	s0 =	simm.s32 @p2 $0x1  }
0x17: {  	s4 =	simm.s32 $0x1BF5;
	[smem:$0x3FB4] =	sst s0  }
0x18: {  	s0 =	sld [smem:$0x3F97];
	_ =	swait.ge [sflag:s4], $0x0  }
0x19: {  	s7 =	sld [smem:$0x3F98]  }
0x1a: {  	s8 =	sadd.s32 $0xFFFFE003, lr  }
0x1b: {  	s9 =	sadd.s32 $0xFFFFFEF7, lr;
	s5 =	simm.s32 $0xFFFFFFFF;
	p2 =	slt.u32 s8, $0xFFFFF086  }
0x1c: {  	p1 =	slt.u32 s9, $0xF7A;
	s5 =	simm.s32 @!p2 $0x0  }
0x1d: {  	s5 =	simm.s32 @p1 $0x1;
	p0 =	seq.s32 s7, s2  }
0x1e: {  	s7 =	smul.u32 @!p0 $0xF7A, s2;
	p2 =	seq.s32 @!p0 s5, $0x0  }
0x1f: {  	s9 =	smul.u32 $0xF7A, s1;
	s8 =	simm.s32 @!p0 $0x1BF5;
	p2 =	por !p2, p0  }
0x20: {  	[sflag:s8] =	ssyncset.s32 @!p0 $0xFFFFF086;
	s6 =	sadd.s32 @!p0 s3, s7;
	s7 =	simm.s32 @!p0 $0x108  }
0x21: {  	s3 =	sadd.s32 s3, s9;
	s6 =	sadd.s32 @!p0 $0x88, s6;
	s7 =	simm.s32 @p2 $0x1082  }
0x22: {  	[simem:s7], [sflag:s8] =	dma.local @!p0 [hbm:s6], $0xF7A  }
0x23: {  	s9 =	sor.u32 $0xD0000000, s2;
	s6 =	simm.s32 $0x108;
	_ =	swait.ge @!p0 [sflag:s8], $0x0  }
0x24: {  	s3 =	sadd.s32 $0x88, s3;
	s6 =	simm.s32 @!p1 $0x1082;
	[sflag:s4] =	ssyncset.s32 $0xFFFFF086  }
0x25: {  	[simem:s6], [sflag:s4] =	dma.local [hbm:s3], $0xF7A  }
0x26: {  	[smem:$0x3F98] =	sst s1;
	(tag) =	ssettag s2;
	_ =	strace s9  }
0x27: {  	s1 =	sld [smem:$0x3FA8]  }
0x28: {  	s2 =	sld [smem:$0x3FA9]  }
0x29: {  	s4 =	sld [smem:$0x3FAB]  }
0x2a: {  	p0 =	seq.s32 s5, $0x0;
	s5 =	sld [smem:$0x3FAC]  }
0x2b: {  	s6 =	sld [smem:$0x3FAD]  }
0x2c: {  	s7 =	sld [smem:$0x3FAE]  }
0x2d: {  	s3 =	simm.s32 $0x108;
	s8 =	sld [smem:$0x3FAF]  }
0x2e: {  	s3 =	simm.s32 @!p0 $0x1082;
	s9 =	sld [smem:$0x3FB0]  }
0x2f: {  	lr =	sadd.s32 s0, s3;
	s0 =	sld [smem:$0x3FA7]  }
0x30: {  	s3 =	sld [smem:$0x3FAA]  }
0x31: {  	[smem:$0x3FB3] =	sst s10  }
0x32: {  	s10 =	sld [smem:$0x3FB1];
	_ =	sdelay $0x3  }
0x33: {  	p0 =	seq.s32 s10, $0x1;
	s10 =	sld [smem:$0x3FB3];
	_ =	sdelay $0x3  }
0x34: {  	[smem:$0x3FB3] =	sst s10  }
0x35: {  	s10 =	sld [smem:$0x3FB2];
	_ =	sdelay $0x3  }
0x36: {  	p1 =	seq.s32 s10, $0x1;
	s10 =	sld [smem:$0x3FB3];
	_ =	sdelay $0x3  }
0x37: {  	[smem:$0x3FB3] =	sst s10  }
0x38: {  	s10 =	sld [smem:$0x3FB4]  }
0x39: {  	_ = 	snop;
	(pc) =	sbr.ind lr, $3  }
0x3a: {  	_ = 	snop  }
0x3b: {  	_ = 	snop  }
0x3c: {  	p2 =	seq.s32 s10, $0x1;
	s10 =	sld [smem:$0x3FB3]  }
0x3d: {  	_ =	shalt  }
0x3e: {  	_ =	shalt  }
0x3f: {  	_ =	shalt  }
0x40: {  	_ =	shalt  }
0x41: {  	_ =	shalt  }
0x42: {  	_ =	shalt  }
0x43: {  	_ =	shalt  }
0x44: {  	_ =	shalt  }
0x45: {  	_ =	shalt  }
0x46: {  	_ =	shalt  }
0x47: {  	_ =	shalt  }
0x48: {  	_ =	shalt  }
0x49: {  	_ =	shalt  }
0x4a: {  	_ =	shalt  }
0x4b: {  	_ =	shalt  }
0x4c: {  	_ =	shalt  }
0x4d: {  	_ =	shalt  }
0x4e: {  	_ =	shalt  }
0x4f: {  	_ =	shalt  }
0x50: {  	_ =	shalt  }
0x51: {  	_ =	shalt  }
0x52: {  	_ =	shalt  }
0x53: {  	_ =	shalt  }
0x54: {  	_ =	shalt  }
0x55: {  	_ =	shalt  }
0x56: {  	_ =	shalt  }
0x57: {  	_ =	shalt  }
0x58: {  	_ =	shalt  }
0x59: {  	_ =	shalt  }
0x5a: {  	_ =	shalt  }
0x5b: {  	_ =	shalt  }
0x5c: {  	_ =	shalt  }
0x5d: {  	_ =	shalt  }
0x5e: {  	_ =	shalt  }
0x5f: {  	_ =	shalt  }
0x60: {  	_ =	shalt  }
0x61: {  	_ =	shalt  }
0x62: {  	_ =	shalt  }
0x63: {  	_ =	shalt  }
0x64: {  	_ =	shalt  }
0x65: {  	_ =	shalt  }
0x66: {  	_ =	shalt  }
0x67: {  	_ =	shalt  }
0x68: {  	_ =	shalt  }
0x69: {  	_ =	shalt  }
0x6a: {  	_ =	shalt  }
0x6b: {  	_ =	shalt  }
0x6c: {  	_ =	shalt  }
0x6d: {  	_ =	shalt  }
0x6e: {  	_ =	shalt  }
0x6f: {  	_ =	shalt  }
0x70: {  	_ =	shalt  }
0x71: {  	_ =	shalt  }
0x72: {  	_ =	shalt  }
0x73: {  	_ =	shalt  }
0x74: {  	_ =	shalt  }
0x75: {  	_ =	shalt  }
0x76: {  	_ =	shalt  }
0x77: {  	_ =	shalt  }
0x78: {  	_ =	shalt  }
0x79: {  	_ =	shalt  }
0x7a: {  	_ =	shalt  }
0x7b: {  	_ =	shalt  }
0x7c: {  	_ =	shalt  }
0x7d: {  	_ =	shalt  }
0x7e: {  	_ =	shalt  }
0x7f: {  	_ =	shalt  }
0x80: {  	_ =	shalt  }
0x81: {  	_ =	shalt  }
0x82: {  	_ =	shalt  }
0x83: {  	_ =	shalt  }
0x84: {  	_ =	shalt  }
0x85: {  	_ =	shalt  }
0x86: {  	_ =	shalt  }
0x87: {  	_ =	shalt  }
.Lfunc_end0:
.L_simem_size_0:
called_computation_lowered:
.L_overlay_start_0:
0x88: {  	s2 =	sld [smem:$0x3FD9]  }
0x89: {  	s3 =	sld [smem:$0x3FFE];
	_ =	sdelay $0x1  }
0x8a: {  	s1 =	srdreg.scid  }
0x8b: {  	s0 =	sand.u32 $0x1, s1  }
0x8c: {  	s18 =	sshll.u32 s0, $0xA;
	s2 =	sadd.s32 s3, s2  }
0x8d: {  	s2 =	sadd.s32 s2, s18  }
0x8e: {  	[smem:$0x3FBF] =	sst s2  }
0x8f: {  	_ = 	snop  }
0x90: {  	s2 =	sld [smem:$0x3FC8]  }
0x91: {  	s19 =	sld [smem:$0x3FD0];
	(tm) =	ssettm $0x1  }
0x92: {  	s4 =	sld [smem:$0x3FFB];
	_ =	sdelay $0x3  }
0x93: {  	_ =	strace s4  }
0x94: {  	s4 =	sld [smem:$0x3FFC];
	_ =	sdelay $0x3  }
0x95: {  	_ =	strace s4  }
0x96: {  	s4 =	sld [smem:$0x3FFD];
	_ =	sdelay $0x3  }
0x97: {  	_ =	strace s4  }
0x98: {  	_ =	strace $0x8FFFFFFF  }
0x99: {  	s20 =	sld [smem:$0x3FDB];
	_ =	sdelay $0x1  }
0x9a: {  	s5 =	simm.s32 $_scs_section_size  }
0x9b: {  	s6 =	simm.s32 $_size__tile_overlayer_lowered;
	s7 =	simm.s32 $_tile_overlayer_lowered  }
0x9c: {  	s23 =	simm.s32 $0x1BFF;
	s22 =	sshll.u32 s7, $0x1;
	s4 =	sadd.s32 s5, s20  }
0x9d: {  	s8 =	simm.s32 $0x0;
	s21 =	sshll.u32 s6, $0x1;
	s6 =	sadd.s32 s22, s4  }
0x9e: {  	[timem:s8], [sflag:s23] =	dma.local [hbm:s6], s21  }
0x9f: {  	_ =	swait.ge [sflag:s23], s21  }
0xa0: {  	s5 =	ssub.s32 $0x0, s21;
	[sflag:s23] =	ssyncset.done $0x0  }
0xa1: {  	[sflag:s23] =	ssyncadd.s32 s5;
	_ =	sdelay $0x1  }
0xa2: {  	s24 =	simm.s32 $0x1B8B  }
0xa3: {  	_ =	swait.ge [sflag:s24], $0x1  }
0xa4: {  	[sflag:s24] =	ssyncset.done $0x0  }
0xa5: {  	s25 =	simm.s32 $0x1B8E;
	[sflag:s24] =	ssyncadd.s32 $0xFFFFFFFF  }
0xa6: {  	s26 =	simm.s32 $execute0_lowered;
	[smem:$0x3FD2] =	sst s25  }
0xa7: {  	s5 =	sshll.u32 s26, $0x1;
	_ =	strace $0x80000046;
	[dreg:$0x1] =	wrdreg $0xFFFFFFFF  }
0xa8: {  	s28 =	simm.s32 $_size_execute0_lowered;
	s4 =	sadd.s32 s4, s5;
	[dreg:$0x0] =	wrdreg $0x0  }
0xa9: {  	s5 =	sshll.u32 s28, $0x1;
	[dreg:$0x2] =	wrdreg s4  }
0xaa: {  	[dreg:$0x3] =	wrdreg s5  }
0xab: {  	[dreg:$0x4] =	wrdreg $0xC0  }
0xac: {  	_ =	task [dreg:s8], $0x5FFFF  }
0xad: {  	[dreg:$0x1] =	wrdreg $0xFFFFFFFF  }
0xae: {  	[dreg:$0x0] =	wrdreg $0x60  }
0xaf: {  	[dreg:$0x2] =	wrdreg s2  }
0xb0: {  	[dreg:$0x3] =	wrdreg s19  }
0xb1: {  	[dreg:$0x4] =	wrdreg $0x9  }
0xb2: {  	_ =	task.clear_ibuf [dreg:s8], $0x5FFFF;
	_ =	strace $0x90000046  }
0xb3: {  	s29 =	simm.s32 $0x9;
	_ =	strace $0x80000048  }
0xb4: {  	_ =	swait.ge [sflag:s29], $0x1  }
0xb5: {  	[sflag:s29] =	ssyncadd.s32 $0xFFFFFFFF  }
0xb6: {  	_ =	strace $0x90000048  }
0xb7: {  	_ =	sfence  }
0xb8: {  	s30 =	sld [smem:$0x0];
	_ =	sdelay $0x2  }
0xb9: {  	s31 =	sshll.u32 s1, $0xD;
	s1 =	sshrl.u32 s1, $0x2  }
0xba: {  	s3 =	sand.u32 $0x4000, s31;
	s1 =	sadd.s32 s1, s30  }
0xbb: {  	s0 =	sor.u32 s3, s0;
	s1 =	sshll.u32 s1, $0x11  }
0xbc: {  	s0 =	sor.u32 s1, s0  }
0xbd: {  	s0 =	sadd.s32 $0x8F2B, s0  }
0xbe: {  	[sflag:s0] =	ssyncadd.remote.s32 $0x1  }
0xbf: {  	_ =	sfence.sel $0xFFFF  }
0xc0: {  	[dreg:$0x0] =	wrdreg $0xFFFFFFFF;
	(pc) =	sbr.abs _section_cstart, $3  }
0xc1: {  	[dreg:$0x1] =	wrdreg $0xFFFFFFFF  }
0xc2: {  	_ =	task.clear_ibuf [dreg:s8], $0x2FFFF;
	_ =	strace $0x9FFFFFFF  }
0xc3: {  	(tm) =	ssettm $0x7FFFFFFF  }
tec
execute0_lowered:
.L_overlay_start_1:
0x0: {  	(tag) =	ssettag $0x1  }
0x1: {  	s0 =	srdreg.scid  }
0x2: {  	s4 =	sand.u32 $0x1, s0;
	s0 =	stileid.u32  }
0x3: {  	s5 =	sor.u32 s0, s4  }
0x4: {  	p0 =	sne.s32 s5, $0x0  }
.Ltmp0:
0x5: {  	_ = 	snop;
	(pc) =	sbr.rel @p0 .LBB2_5-.Ltmp0, $4  }
0x6: {  	_ = 	snop  }
0x7: {  	s2 =	rddreg [dreg:$0x0]  }
0x8: {  	s3 =	rddreg [dreg:$0x1]  }
0x9: {  	s1 =	rddreg [dreg:$0x2];
	_ =	strace $0x80000047  }
0xa: {  	s4 =	ssub.s32 $0x2, s4  }
0xb: {  	s6 =	simm.s32 $0x1;
	s7 =	simm.s32 $0x1000;
	s5 =	sshrl.u32 s4, $0x1  }
0xc: {  	v0 =	vimm.s32 $0x0;
	s8 =	simm.s32 $0x0;
	s4 =	ssub.s32 s4, s5;
	s5 =	simm.s32 $0x0  }
.LBB2_2:
0xd: {  	[tilespmem:s5], [sflag:$0x1] =	stream.linear.gather [hbm4b:s2+s5], $0x1000, $0x38;
	[tilespmem:$0x1080] =	vst v63  }
0xe: {  	_ =	swait.ge [sflag:s6], $0x1000  }
0xf: {  	[sflag:s6] =	ssyncset.done $0x0  }
0x10: {  	s10 =	simm.s32 $0x0;
	[sflag:s6] =	ssyncadd.s32 $0xFFFFF000  }
0x11: {  	v4 =	vld [tilespmem:s10+$0x0]  }
0x12: {  	s9 =	simm.s32 $0x40;
	v3 =	vimm.s32 $0x0;
	v2 =	vimm.s32 $0x0;
	v1 =	vimm.s32 $0x0  }
.LBB2_3:
0x13: {  	p0 =	sne.s32 s9, $0x3FC0  }
.Ltmp1:
0x14: {  	_ = 	snop;
	(pc) =	sbr.rel @p0 .LBB2_3-.Ltmp1, $4  }
0x15: {  	_ = 	snop  }
0x16: {  	s10 =	sshra.s32 s9, $0x2;
	s9 =	sadd.s32 $0x40, s9;
	vm0 =	vlt.s32 v4, $0x1;
	vm1 =	vlt.s32 v4, $0x2;
	vm2 =	vlt.s32 v4, $0x3  }
0x17: {  	v4 =	vld [tilespmem:s10+$0x0];
	v5 =	vsel vm0, $0x1, v0;
	v6 =	vsel vm1, $0x1, v0;
	v7 =	vsel vm2, $0x1, v0  }
0x18: {  	v3 =	vadd.s32 v5, v3;
	v2 =	vadd.s32 v6, v2;
	v1 =	vadd.s32 v7, v1  }
0x19: {  	_ =	sdelay $0x2  }
0x1a: {  	vm0 =	vlt.s32 v4, $0x1  }
0x1b: {  	vm1 =	vlt.s32 v4, $0x2;
	v5 =	vsel vm0, $0x1, v0  }
0x1c: {  	vm15 =	vlt.s32 v4, $0x3;
	v62 =	vsel vm1, $0x1, v0;
	v3 =	vadd.s32 v5, v3  }
0x1d: {  	s8 =	sadd.s32 $0x1, s8;
	v63 =	vsel vm15, $0x1, v0;
	v2 =	vadd.s32 v62, v2;
	[tilespmem:$0x1000] =	vst v3  }
0x1e: {  	p0 =	sne.s32 s8, s4;
	v1 =	vadd.s32 v63, v1;
	[tilespmem:$0x1010] =	vst v2  }
.Ltmp2:
0x1f: {  	[tilespmem:$0x1020] =	vst v1;
	(pc) =	sbr.rel @p0 .LBB2_2-.Ltmp2, $4  }
0x20: {  	[hbm4b:s3+s5] =	stream.linear.scatter [tilespmem:s7], [sflag:$0x1], $0x80, $0x38;
	[tilespmem:$0x1080] =	vst v63  }
0x21: {  	_ =	swait.ge [sflag:s6], $0x80  }
0x22: {  	[sflag:s6] =	ssyncset.done $0x0  }
0x23: {  	[sflag:s6] =	ssyncadd.s32 $0xFFFFFF80  }
.LBB2_5:
0x24: {  	_ =	sfence.sel $0x180000  }
0x25: {  	[bflag:$0x0] =	sbarrier.arrive $0xFFFF  }
0x26: {  	p0 =	sne.s32 s0, $0x0;
	_ =	strace $0x90000047  }
0x27: {  	s0 =	sadd.s32 @!p0 $0x100000, s1;
	[bflag:$0x2] =	sbarrier.arrive $0xFFFF  }
0x28: {  	[sflag:s0] =	ssyncadd.tile.s32 @!p0 $0x1;
	_ =	shalt  }
.Lfunc_end2:
_tile_overlayer_lowered:
.L_overlay_start_2:
0x29: {  	(tag) =	ssettag $0x2  }
0x2a: {  	s0 =	rddreg [dreg:$0x0];
	s2 =	stileid.u32  }
0x2b: {  	s1 =	rddreg [dreg:$0x1];
	p0 =	sne.s32 s2, $0x0  }
0x2c: {  	s3 =	rddreg [dreg:$0x2];
	[bflag:$0x3] =	sbarrier.arrive $0xFFFF;
	s2 =	simm.s32 @!p0 $0x1C01  }
0x2d: {  	[timem:s3], [sflag:s2] =	dma.local @!p0 [hbm:s0], s1  }
0x2e: {  	s0 =	simm.s32 @!p0 $0x1  }
0x2f: {  	_ =	swait.ge @!p0 [sflag:s0], s1  }
0x30: {  	s1 =	ssub.s32 @!p0 $0x0, s1;
	[sflag:s0] =	ssyncset.done @!p0 $0x0  }
0x31: {  	[sflag:s0] =	ssyncadd.s32 @!p0 s1  }
0x32: {  	[bflag:$0x3] =	sbarrier.arrive $0xFFFF  }
0x33: {  	_ =	shalt  }

</sc_bundles>
